<compile_context>
chip_gen: v7x
topology: tpu7x:2x2x1
jax: 0.10.2.dev20260603
libtpu: 0.0.44.dev20260713+nightly
codegen_flags: <defaults>
</compile_context>

<pallas_src>
import functools

import jax
import jax.numpy as jnp
from jax import lax
from jax.experimental import pallas as pl
from jax.experimental.pallas import tpu as pltpu
from jax.experimental.pallas import tpu_sc as plsc



def _route_block(x_ref, gw_ref, gb_ref, xa_ref, eidx_ref, rank_ref, cnts_ref,
                 cnt_scr):
    c = pl.program_id(0)
    x = x_ref[...]
    logits = jnp.dot(x, gw_ref[...].T,
                     preferred_element_type=jnp.float32) + gb_ref[...]
    m = jnp.max(logits, axis=-1, keepdims=True)
    top = 1.0 / jnp.sum(jnp.exp(logits - m), axis=-1, keepdims=True)
    E = logits.shape[-1]
    ecol = lax.broadcasted_iota(jnp.int32, logits.shape, 1)
    amax = jnp.min(jnp.where(logits == m, ecol, E), axis=-1, keepdims=True)
    scale = E * top

    Tg, H = x.shape
    HW = (H + 256) // 2
    va = scale * x
    lane = lax.broadcasted_iota(jnp.int32, (Tg, 2 * HW - H), 1)
    scol = jnp.where(lane == 0, scale, 0.0)
    lo = va[:, :HW]
    hi = jnp.concatenate([va[:, HW:], scol], axis=1)

    ulo = lax.bitcast_convert_type(lo, jnp.uint32) + jnp.uint32(0x8000)
    uhi = lax.bitcast_convert_type(hi, jnp.uint32) + jnp.uint32(0x8000)
    word = (ulo >> 16) | (uhi & jnp.uint32(0xFFFF0000))
    xa_ref[...] = lax.bitcast_convert_type(word, jnp.int32)
    eidx_ref[...] = amax[:, 0]

    oh = (amax == ecol).astype(jnp.float32)
    ri = lax.broadcasted_iota(jnp.int32, (Tg, Tg), 0)
    ci = lax.broadcasted_iota(jnp.int32, (Tg, Tg), 1)
    tri = (ri >= ci).astype(jnp.float32)
    cum = jnp.dot(tri, oh, preferred_element_type=jnp.float32)

    @pl.when(c == 0)
    def _zero():
        cnt_scr[...] = jnp.zeros_like(cnt_scr)

    carry = cnt_scr[0, :]
    rank_in = jnp.sum(oh * cum, axis=1) - 1.0
    carrytok = jnp.sum(oh * carry[None, :], axis=1)
    rank_ref[...] = (rank_in + carrytok).astype(jnp.int32)
    totals = carry + jnp.sum(oh, axis=0)
    cnt_scr[0, :] = totals
    cnts_ref[...] = totals[None, :]



def _gmm_block(s_ref, xs_ref, ew_ref, eb_ref, o_ref, w16_scr):
    g = pl.program_id(0)
    c = s_ref[1, g]
    st = s_ref[2, g]
    en = s_ref[3, g]
    prev_c = s_ref[1, jnp.maximum(g - 1, 0)]
    newc = jnp.logical_or(g == 0, c != prev_c)
    e_now = s_ref[0, g]
    e_prev = s_ref[0, jnp.maximum(g - 1, 0)]
    newe = jnp.logical_or(g == 0, e_now != e_prev)
    Tc = o_ref.shape[0]
    H = o_ref.shape[1]

    @pl.when(newe)
    def _conv():
        w16_scr[...] = ew_ref[0].astype(jnp.bfloat16)

    @pl.when(st < en)
    def _active():
        HW = xs_ref.shape[1]
        xw = lax.bitcast_convert_type(xs_ref[...], jnp.uint32)
        lo = lax.bitcast_convert_type(xw << 16, jnp.float32)
        hi = lax.bitcast_convert_type(xw & jnp.uint32(0xFFFF0000), jnp.float32)
        w16 = w16_scr[...]
        y = jnp.dot(lo.astype(jnp.bfloat16), w16[:, :HW].T,
                    preferred_element_type=jnp.float32)
        y = y + jnp.dot(hi[:, :H - HW].astype(jnp.bfloat16), w16[:, HW:].T,
                        preferred_element_type=jnp.float32)
        gcol = jnp.sum(hi[:, H - HW:], axis=1, keepdims=True)
        rows = c * Tc + lax.broadcasted_iota(jnp.int32, (Tc, 1), 0)
        msk = ((rows >= st) & (rows < en)).astype(jnp.float32)
        contrib = msk * (y + gcol * eb_ref[0])

        @pl.when(newc)
        def _init():
            o_ref[...] = contrib

        @pl.when(jnp.logical_not(newc))
        def _acc():
            o_ref[...] = o_ref[...] + contrib


def kernel(x, gate_w, gate_b, expert_w, expert_b):
    B, S, H = x.shape
    E = gate_w.shape[0]
    N = B * S
    x2 = x.reshape(N, H)
    HW = (H + 256) // 2
    Tg = min(512, N)
    Cg = N // Tg
    xa, eidx, rank, cnts = pl.pallas_call(
        _route_block,
        grid=(Cg,),
        in_specs=[
            pl.BlockSpec((Tg, H), lambda c: (c, 0)),
            pl.BlockSpec((E, H), lambda c: (0, 0)),
            pl.BlockSpec((E,), lambda c: (0,)),
        ],
        out_specs=[
            pl.BlockSpec((Tg, HW), lambda c: (c, 0)),
            pl.BlockSpec((Tg,), lambda c: (c,)),
            pl.BlockSpec((Tg,), lambda c: (c,)),
            pl.BlockSpec((1, E), lambda c: (0, 0)),
        ],
        out_shape=[
            jax.ShapeDtypeStruct((N, HW), jnp.int32),
            jax.ShapeDtypeStruct((N,), jnp.int32),
            jax.ShapeDtypeStruct((N,), jnp.int32),
            jax.ShapeDtypeStruct((1, E), jnp.float32),
        ],
        scratch_shapes=[pltpu.VMEM((1, E), jnp.float32)],
    )(x2, gate_w, gate_b)

    counts = cnts[0].astype(jnp.int32)
    off = jnp.concatenate(
        [jnp.zeros((1,), jnp.int32), jnp.cumsum(counts)[:-1].astype(jnp.int32)])
    er = jnp.arange(E, dtype=jnp.int32)
    slot = rank + jnp.sum(
        jnp.where(eidx[:, None] == er[None, :], off[None, :], 0), axis=1)

    Tc = min(256, N)
    C = N // Tc
    G = C + E - 1
    c_lo = off // Tc
    c_hi = (off + counts - 1) // Tc
    span = jnp.where(counts > 0, c_hi - c_lo + 1, 0)
    incl = jnp.cumsum(span)
    basex = incl - span
    g_act = incl[-1]
    gi = jnp.arange(G, dtype=jnp.int32)
    e_raw = jnp.minimum(
        jnp.sum((gi[:, None] >= incl[None, :]).astype(jnp.int32), axis=1), E - 1)
    c_raw = jnp.take(c_lo, e_raw) + (gi - jnp.take(basex, e_raw))
    st_raw = jnp.maximum(jnp.take(off, e_raw), c_raw * Tc)
    en_raw = jnp.minimum(jnp.take(off + counts, e_raw), (c_raw + 1) * Tc)
    act = gi < g_act
    e_last = jnp.take(e_raw, g_act - 1)
    c_last = jnp.take(c_raw, g_act - 1)
    sched = jnp.stack([
        jnp.where(act, e_raw, e_last),
        jnp.where(act, c_raw, c_last),
        jnp.where(act, st_raw, 0),
        jnp.where(act, en_raw, 0),
    ]).astype(jnp.int32)

    NC, NS = 2, 16
    NW = NC * NS
    PW = N // NW
    BSZ = min(64, PW)
    K = PW // BSZ
    BSZC = min(32, PW)
    KC = PW // BSZC
    mesh = plsc.VectorSubcoreMesh(core_axis_name="c", subcore_axis_name="s",
                                  num_cores=NC, num_subcores=NS)

    @functools.partial(
        pl.kernel, mesh=mesh,
        out_type=jax.ShapeDtypeStruct((N, HW), jnp.int32),
        scratch_types=[
            pltpu.VMEM((BSZ,), jnp.int32),
            pltpu.VMEM((BSZ,), jnp.int32),
            pltpu.VMEM((BSZ, HW), jnp.int32),
            pltpu.VMEM((BSZ, HW), jnp.int32),
            pltpu.SemaphoreType.DMA,
            pltpu.SemaphoreType.DMA,
            pltpu.SemaphoreType.DMA,
            pltpu.SemaphoreType.DMA,
            pltpu.SemaphoreType.DMA,
            pltpu.SemaphoreType.DMA,
        ],
    )
    def _dispatch(xa_hbm, slot_hbm, xs_hbm, ix0, ix1, rw0, rw1,
                  si0, si1, sr0, sr1, ss0, ss1):
        wid = lax.axis_index("s") * NC + lax.axis_index("c")
        ixb, rwb = (ix0, ix1), (rw0, rw1)
        sib, srb, ssb = (si0, si1), (sr0, sr1), (ss0, ss1)

        def r0(j):
            return pl.multiple_of(wid * PW + j * BSZ, BSZ)

        loads = {0: (pltpu.async_copy(slot_hbm.at[pl.ds(r0(0), BSZ)], ixb[0], sib[0]),
                     pltpu.async_copy(xa_hbm.at[pl.ds(r0(0), BSZ)], rwb[0], srb[0]))}
        scat = {}
        for j in range(K):
            b = j & 1
            loads[j][0].wait()
            loads[j][1].wait()
            scat[j] = pltpu.async_copy(rwb[b], xs_hbm.at[ixb[b]], ssb[b])
            if j + 1 < K:
                nb = 1 - b
                if j >= 1:
                    scat[j - 1].wait()
                loads[j + 1] = (
                    pltpu.async_copy(slot_hbm.at[pl.ds(r0(j + 1), BSZ)], ixb[nb], sib[nb]),
                    pltpu.async_copy(xa_hbm.at[pl.ds(r0(j + 1), BSZ)], rwb[nb], srb[nb]))
        if K >= 2:
            scat[K - 2].wait()
        scat[K - 1].wait()

    xs = _dispatch(xa, slot)

    ys = pl.pallas_call(
        _gmm_block,
        grid_spec=pltpu.PrefetchScalarGridSpec(
            num_scalar_prefetch=1,
            grid=(G,),
            in_specs=[
                pl.BlockSpec((Tc, HW), lambda g, s: (s[1, g], 0)),
                pl.BlockSpec((1, H, H), lambda g, s: (s[0, g], 0, 0)),
                pl.BlockSpec((1, 1, H), lambda g, s: (s[0, g], 0, 0)),
            ],
            out_specs=pl.BlockSpec((Tc, H), lambda g, s: (s[1, g], 0)),
            scratch_shapes=[pltpu.VMEM((H, H), jnp.bfloat16)],
        ),
        out_shape=jax.ShapeDtypeStruct((N, H), jnp.float32),
    )(sched, xs, expert_w, expert_b.reshape(E, 1, H))

    @functools.partial(
        pl.kernel, mesh=mesh,
        out_type=jax.ShapeDtypeStruct((N, H), jnp.float32),
        scratch_types=[
            pltpu.VMEM((BSZC,), jnp.int32),
            pltpu.VMEM((BSZC,), jnp.int32),
            pltpu.VMEM((BSZC, H), jnp.float32),
            pltpu.VMEM((BSZC, H), jnp.float32),
            pltpu.SemaphoreType.DMA,
            pltpu.SemaphoreType.DMA,
            pltpu.SemaphoreType.DMA,
            pltpu.SemaphoreType.DMA,
            pltpu.SemaphoreType.DMA,
            pltpu.SemaphoreType.DMA,
        ],
    )
    def _combine(ys_hbm, slot_hbm, out_hbm, ix0, ix1, rw0, rw1,
                 si0, si1, sg0, sg1, ss0, ss1):
        wid = lax.axis_index("s") * NC + lax.axis_index("c")
        ixb, rwb = (ix0, ix1), (rw0, rw1)
        sib, sgb, ssb = (si0, si1), (sg0, sg1), (ss0, ss1)

        def r0(j):
            return pl.multiple_of(wid * PW + j * BSZC, BSZC)

        idxl = {0: pltpu.async_copy(slot_hbm.at[pl.ds(r0(0), BSZC)], ixb[0], sib[0])}
        sto = {}
        for j in range(KC):
            b = j & 1
            idxl[j].wait()
            if j >= 2:
                sto[j - 2].wait()
            gat = pltpu.async_copy(ys_hbm.at[ixb[b]], rwb[b], sgb[b])
            if j + 1 < KC:
                idxl[j + 1] = pltpu.async_copy(
                    slot_hbm.at[pl.ds(r0(j + 1), BSZC)], ixb[1 - b], sib[1 - b])
            gat.wait()
            sto[j] = pltpu.async_copy(rwb[b], out_hbm.at[pl.ds(r0(j), BSZC)], ssb[b])
        if KC >= 2:
            sto[KC - 2].wait()
        sto[KC - 1].wait()

    out = _combine(ys, slot)
    return out.reshape(B, S, H)

# --- scband reference (transcript-rebuilt; emitter-appended) ---
"""Pipeline reference for scband-mo-e-26912265076925 (READ-ONLY COPY).

The authoritative reference and input builder live on the scoring server;
editing this copy changes nothing except your own understanding.
"""

import jax, jax.numpy as jnp
import numpy as np

B, S, H, E, TOP_K = 2, 2048, 1024, 8, 1

def setup_inputs(seed: int = 0) -> dict:
    key = jax.random.key(seed)
    ks = jax.random.split(key, 5)
    x = jax.random.normal(ks[0], (B, S, H), dtype=jnp.float32)
    gate_w = jax.random.normal(ks[1], (E, H), dtype=jnp.float32) * (1.0 / np.sqrt(H))
    gate_b = jax.random.normal(ks[2], (E,), dtype=jnp.float32) * 0.01
    expert_w = jax.random.normal(ks[3], (E, H, H), dtype=jnp.float32) * (1.0 / np.sqrt(H))
    expert_b = jax.random.normal(ks[4], (E, H), dtype=jnp.float32) * 0.01
    return {"x": x, "gate_w": gate_w, "gate_b": gate_b, "expert_w": expert_w, "expert_b": expert_b}

def reference(x, gate_w, gate_b, expert_w, expert_b):
    # gate: torch Linear -> x @ W.T + b, then softmax over experts
    gates = jax.nn.softmax(x @ gate_w.T + gate_b, axis=-1)            # [B, S, E]
    top_gates, top_indices = jax.lax.top_k(gates, TOP_K)              # [B, S, k]
    # all experts computed densely, stacked at dim=2: [B, S, E, H]
    expert_outputs = jnp.einsum('bsh,eoh->bseo', x, expert_w) + expert_b[None, None, :, :]
    # torch gather(2, top_indices.unsqueeze(-1).expand_as(expert_outputs))
    idx = jnp.broadcast_to(top_indices[..., None], expert_outputs.shape).astype(jnp.int32)
    selected = jnp.take_along_axis(expert_outputs, idx, axis=2)       # [B, S, E, H]
    # (selected * top_gates.unsqueeze(-1)).sum(dim=2)
    out = (selected * top_gates[..., None]).sum(axis=2)               # [B, S, H]
    return out

if __name__ == "__main__":
    import jax
    _d = setup_inputs()
    print(jax.jit(kernel)(*tuple(_d.values())))

</pallas_src>

<mosaic_0001>
#map = affine_map<(d0, d1) -> (0, 0)>
#map1 = affine_map<(d0, d1) -> (0)>
module attributes {stable_mosaic.version = 14 : i64} {
  func.func @_combine(%arg0: i32, %arg1: i32, %arg2: memref<4096x1024xf32, #tpu.memory_space<hbm>>, %arg3: memref<4096xi32, #tpu.memory_space<hbm>>, %arg4: memref<4096x1024xf32, #tpu.memory_space<hbm>>, %arg5: memref<32xi32, #tpu.memory_space<vmem>>, %arg6: memref<32xi32, #tpu.memory_space<vmem>>, %arg7: memref<32x1024xf32, #tpu.memory_space<vmem>>, %arg8: memref<32x1024xf32, #tpu.memory_space<vmem>>, %arg9: memref<!tpu.dma_semaphore, #tpu.memory_space<semaphore_mem>>, %arg10: memref<!tpu.dma_semaphore, #tpu.memory_space<semaphore_mem>>, %arg11: memref<!tpu.dma_semaphore, #tpu.memory_space<semaphore_mem>>, %arg12: memref<!tpu.dma_semaphore, #tpu.memory_space<semaphore_mem>>, %arg13: memref<!tpu.dma_semaphore, #tpu.memory_space<semaphore_mem>>, %arg14: memref<!tpu.dma_semaphore, #tpu.memory_space<semaphore_mem>>) attributes {dimension_semantics = [#tpu.dimension_semantics<core_parallel>, #tpu.dimension_semantics<subcore_parallel>], iteration_bounds = array<i64: 2, 16>, scalar_prefetch = 0 : i64, scratch_operands = 10 : i64, tpu.core_type = #tpu.core_type<sc_vector_subcore>, window_params = [{transform_indices = #map}, {transform_indices = #map1}, {transform_indices = #map}]} {
    %mul3A = arith.constant 2 : i32
    %mul3A_0 = arith.muli %arg1, %mul3A : i32
    %add3A = arith.addi %mul3A_0, %arg0 : i32
    %mul3A_1 = arith.constant 128 : i32
    %mul3A_2 = arith.muli %add3A, %mul3A_1 : i32
    %add3A_3 = arith.constant 0 : i32
    %add3A_4 = arith.addi %mul3A_2, %add3A_3 : i32
    %multiple_of3A = tpu.assume_multiple %add3A_4, 32 : i32
    %dma_start3A = tpu.memref_slice %arg3[%multiple_of3A] : memref<4096xi32, #tpu.memory_space<hbm>> -> memref<32xi32, #tpu.memory_space<hbm>>
    %dma_start3A_5 = tpu.memref_slice %arg3[%multiple_of3A] : memref<4096xi32, #tpu.memory_space<hbm>> -> memref<32xi32, #tpu.memory_space<hbm>>
    tpu.enqueue_dma source(%dma_start3A_5 : memref<32xi32, #tpu.memory_space<hbm>>) target(%arg5 : memref<32xi32, #tpu.memory_space<vmem>>) target_semaphore(%arg9 : memref<!tpu.dma_semaphore, #tpu.memory_space<semaphore_mem>>)
    %dma_wait3A = tpu.memref_slice %arg3[%multiple_of3A] : memref<4096xi32, #tpu.memory_space<hbm>> -> memref<32xi32, #tpu.memory_space<hbm>>
    %dma_wait3A_6 = tpu.memref_slice %arg3[%multiple_of3A] : memref<4096xi32, #tpu.memory_space<hbm>> -> memref<32xi32, #tpu.memory_space<hbm>>
    tpu.wait_dma2 semaphore(%arg9 : memref<!tpu.dma_semaphore, #tpu.memory_space<semaphore_mem>>) src(%dma_wait3A_6 : memref<32xi32, #tpu.memory_space<hbm>>) dst(%arg5 : memref<32xi32, #tpu.memory_space<vmem>>)
    %dma_start3A_7 = arith.constant 0 : i32
    %dma_start3A_8 = arith.constant 0 : i32
    %dma_start3A_9 = tpu.memref_slice %arg2[%dma_start3A_7, %dma_start3A_8] : memref<4096x1024xf32, #tpu.memory_space<hbm>> -> memref<4096x1024xf32, #tpu.memory_space<hbm>>
    tpu.enqueue_indirect_dma source(%dma_start3A_9 : memref<4096x1024xf32, #tpu.memory_space<hbm>>) target(%arg7 : memref<32x1024xf32, #tpu.memory_space<vmem>>) offsets(%arg5 : memref<32xi32, #tpu.memory_space<vmem>>) semaphore(%arg11 : memref<!tpu.dma_semaphore, #tpu.memory_space<semaphore_mem>>)
    %mul3A_10 = arith.constant 128 : i32
    %mul3A_11 = arith.muli %add3A, %mul3A_10 : i32
    %add3A_12 = arith.constant 32 : i32
    %add3A_13 = arith.addi %mul3A_11, %add3A_12 : i32
    %multiple_of3A_14 = tpu.assume_multiple %add3A_13, 32 : i32
    %dma_start3A_15 = tpu.memref_slice %arg3[%multiple_of3A_14] : memref<4096xi32, #tpu.memory_space<hbm>> -> memref<32xi32, #tpu.memory_space<hbm>>
    %dma_start3A_16 = tpu.memref_slice %arg3[%multiple_of3A_14] : memref<4096xi32, #tpu.memory_space<hbm>> -> memref<32xi32, #tpu.memory_space<hbm>>
    tpu.enqueue_dma source(%dma_start3A_16 : memref<32xi32, #tpu.memory_space<hbm>>) target(%arg6 : memref<32xi32, #tpu.memory_space<vmem>>) target_semaphore(%arg10 : memref<!tpu.dma_semaphore, #tpu.memory_space<semaphore_mem>>)
    %dma_wait3A_17 = arith.constant 0 : i32
    %dma_wait3A_18 = arith.constant 0 : i32
    %dma_wait3A_19 = tpu.memref_slice %arg2[%dma_wait3A_17, %dma_wait3A_18] : memref<4096x1024xf32, #tpu.memory_space<hbm>> -> memref<4096x1024xf32, #tpu.memory_space<hbm>>
    tpu.wait_indirect_dma semaphore(%arg11 : memref<!tpu.dma_semaphore, #tpu.memory_space<semaphore_mem>>) src(%dma_wait3A_19 : memref<4096x1024xf32, #tpu.memory_space<hbm>>) dst(%arg7 : memref<32x1024xf32, #tpu.memory_space<vmem>>)
    %mul3A_20 = arith.constant 128 : i32
    %mul3A_21 = arith.muli %add3A, %mul3A_20 : i32
    %add3A_22 = arith.constant 0 : i32
    %add3A_23 = arith.addi %mul3A_21, %add3A_22 : i32
    %multiple_of3A_24 = tpu.assume_multiple %add3A_23, 32 : i32
    %dma_start3A_25 = arith.constant 0 : i32
    %dma_start3A_26 = tpu.memref_slice %arg4[%multiple_of3A_24, %dma_start3A_25] : memref<4096x1024xf32, #tpu.memory_space<hbm>> -> memref<32x1024xf32, #tpu.memory_space<hbm>>
    %dma_start3A_27 = arith.constant 0 : i32
    %dma_start3A_28 = tpu.memref_slice %arg4[%multiple_of3A_24, %dma_start3A_27] : memref<4096x1024xf32, #tpu.memory_space<hbm>> -> memref<32x1024xf32, #tpu.memory_space<hbm>>
    tpu.enqueue_dma source(%arg7 : memref<32x1024xf32, #tpu.memory_space<vmem>>) target(%dma_start3A_28 : memref<32x1024xf32, #tpu.memory_space<hbm>>) target_semaphore(%arg13 : memref<!tpu.dma_semaphore, #tpu.memory_space<semaphore_mem>>)
    %dma_wait3A_29 = tpu.memref_slice %arg3[%multiple_of3A_14] : memref<4096xi32, #tpu.memory_space<hbm>> -> memref<32xi32, #tpu.memory_space<hbm>>
    %dma_wait3A_30 = tpu.memref_slice %arg3[%multiple_of3A_14] : memref<4096xi32, #tpu.memory_space<hbm>> -> memref<32xi32, #tpu.memory_space<hbm>>
    tpu.wait_dma2 semaphore(%arg10 : memref<!tpu.dma_semaphore, #tpu.memory_space<semaphore_mem>>) src(%dma_wait3A_30 : memref<32xi32, #tpu.memory_space<hbm>>) dst(%arg6 : memref<32xi32, #tpu.memory_space<vmem>>)
    %dma_start3A_31 = arith.constant 0 : i32
    %dma_start3A_32 = arith.constant 0 : i32
    %dma_start3A_33 = tpu.memref_slice %arg2[%dma_start3A_31, %dma_start3A_32] : memref<4096x1024xf32, #tpu.memory_space<hbm>> -> memref<4096x1024xf32, #tpu.memory_space<hbm>>
    tpu.enqueue_indirect_dma source(%dma_start3A_33 : memref<4096x1024xf32, #tpu.memory_space<hbm>>) target(%arg8 : memref<32x1024xf32, #tpu.memory_space<vmem>>) offsets(%arg6 : memref<32xi32, #tpu.memory_space<vmem>>) semaphore(%arg12 : memref<!tpu.dma_semaphore, #tpu.memory_space<semaphore_mem>>)
    %mul3A_34 = arith.constant 128 : i32
    %mul3A_35 = arith.muli %add3A, %mul3A_34 : i32
    %add3A_36 = arith.constant 64 : i32
    %add3A_37 = arith.addi %mul3A_35, %add3A_36 : i32
    %multiple_of3A_38 = tpu.assume_multiple %add3A_37, 32 : i32
    %dma_start3A_39 = tpu.memref_slice %arg3[%multiple_of3A_38] : memref<4096xi32, #tpu.memory_space<hbm>> -> memref<32xi32, #tpu.memory_space<hbm>>
    %dma_start3A_40 = tpu.memref_slice %arg3[%multiple_of3A_38] : memref<4096xi32, #tpu.memory_space<hbm>> -> memref<32xi32, #tpu.memory_space<hbm>>
    tpu.enqueue_dma source(%dma_start3A_40 : memref<32xi32, #tpu.memory_space<hbm>>) target(%arg5 : memref<32xi32, #tpu.memory_space<vmem>>) target_semaphore(%arg9 : memref<!tpu.dma_semaphore, #tpu.memory_space<semaphore_mem>>)
    %dma_wait3A_41 = arith.constant 0 : i32
    %dma_wait3A_42 = arith.constant 0 : i32
    %dma_wait3A_43 = tpu.memref_slice %arg2[%dma_wait3A_41, %dma_wait3A_42] : memref<4096x1024xf32, #tpu.memory_space<hbm>> -> memref<4096x1024xf32, #tpu.memory_space<hbm>>
    tpu.wait_indirect_dma semaphore(%arg12 : memref<!tpu.dma_semaphore, #tpu.memory_space<semaphore_mem>>) src(%dma_wait3A_43 : memref<4096x1024xf32, #tpu.memory_space<hbm>>) dst(%arg8 : memref<32x1024xf32, #tpu.memory_space<vmem>>)
    %mul3A_44 = arith.constant 128 : i32
    %mul3A_45 = arith.muli %add3A, %mul3A_44 : i32
    %add3A_46 = arith.constant 32 : i32
    %add3A_47 = arith.addi %mul3A_45, %add3A_46 : i32
    %multiple_of3A_48 = tpu.assume_multiple %add3A_47, 32 : i32
    %dma_start3A_49 = arith.constant 0 : i32
    %dma_start3A_50 = tpu.memref_slice %arg4[%multiple_of3A_48, %dma_start3A_49] : memref<4096x1024xf32, #tpu.memory_space<hbm>> -> memref<32x1024xf32, #tpu.memory_space<hbm>>
    %dma_start3A_51 = arith.constant 0 : i32
    %dma_start3A_52 = tpu.memref_slice %arg4[%multiple_of3A_48, %dma_start3A_51] : memref<4096x1024xf32, #tpu.memory_space<hbm>> -> memref<32x1024xf32, #tpu.memory_space<hbm>>
    tpu.enqueue_dma source(%arg8 : memref<32x1024xf32, #tpu.memory_space<vmem>>) target(%dma_start3A_52 : memref<32x1024xf32, #tpu.memory_space<hbm>>) target_semaphore(%arg14 : memref<!tpu.dma_semaphore, #tpu.memory_space<semaphore_mem>>)
    %dma_wait3A_53 = tpu.memref_slice %arg3[%multiple_of3A_38] : memref<4096xi32, #tpu.memory_space<hbm>> -> memref<32xi32, #tpu.memory_space<hbm>>
    %dma_wait3A_54 = tpu.memref_slice %arg3[%multiple_of3A_38] : memref<4096xi32, #tpu.memory_space<hbm>> -> memref<32xi32, #tpu.memory_space<hbm>>
    tpu.wait_dma2 semaphore(%arg9 : memref<!tpu.dma_semaphore, #tpu.memory_space<semaphore_mem>>) src(%dma_wait3A_54 : memref<32xi32, #tpu.memory_space<hbm>>) dst(%arg5 : memref<32xi32, #tpu.memory_space<vmem>>)
    %dma_wait3A_55 = arith.constant 0 : i32
    %dma_wait3A_56 = tpu.memref_slice %arg4[%multiple_of3A_24, %dma_wait3A_55] : memref<4096x1024xf32, #tpu.memory_space<hbm>> -> memref<32x1024xf32, #tpu.memory_space<hbm>>
    %dma_wait3A_57 = arith.constant 0 : i32
    %dma_wait3A_58 = tpu.memref_slice %arg4[%multiple_of3A_24, %dma_wait3A_57] : memref<4096x1024xf32, #tpu.memory_space<hbm>> -> memref<32x1024xf32, #tpu.memory_space<hbm>>
    tpu.wait_dma2 semaphore(%arg13 : memref<!tpu.dma_semaphore, #tpu.memory_space<semaphore_mem>>) src(%arg7 : memref<32x1024xf32, #tpu.memory_space<vmem>>) dst(%dma_wait3A_58 : memref<32x1024xf32, #tpu.memory_space<hbm>>)
    %dma_start3A_59 = arith.constant 0 : i32
    %dma_start3A_60 = arith.constant 0 : i32
    %dma_start3A_61 = tpu.memref_slice %arg2[%dma_start3A_59, %dma_start3A_60] : memref<4096x1024xf32, #tpu.memory_space<hbm>> -> memref<4096x1024xf32, #tpu.memory_space<hbm>>
    tpu.enqueue_indirect_dma source(%dma_start3A_61 : memref<4096x1024xf32, #tpu.memory_space<hbm>>) target(%arg7 : memref<32x1024xf32, #tpu.memory_space<vmem>>) offsets(%arg5 : memref<32xi32, #tpu.memory_space<vmem>>) semaphore(%arg11 : memref<!tpu.dma_semaphore, #tpu.memory_space<semaphore_mem>>)
    %mul3A_62 = arith.constant 128 : i32
    %mul3A_63 = arith.muli %add3A, %mul3A_62 : i32
    %add3A_64 = arith.constant 96 : i32
    %add3A_65 = arith.addi %mul3A_63, %add3A_64 : i32
    %multiple_of3A_66 = tpu.assume_multiple %add3A_65, 32 : i32
    %dma_start3A_67 = tpu.memref_slice %arg3[%multiple_of3A_66] : memref<4096xi32, #tpu.memory_space<hbm>> -> memref<32xi32, #tpu.memory_space<hbm>>
    %dma_start3A_68 = tpu.memref_slice %arg3[%multiple_of3A_66] : memref<4096xi32, #tpu.memory_space<hbm>> -> memref<32xi32, #tpu.memory_space<hbm>>
    tpu.enqueue_dma source(%dma_start3A_68 : memref<32xi32, #tpu.memory_space<hbm>>) target(%arg6 : memref<32xi32, #tpu.memory_space<vmem>>) target_semaphore(%arg10 : memref<!tpu.dma_semaphore, #tpu.memory_space<semaphore_mem>>)
    %dma_wait3A_69 = arith.constant 0 : i32
    %dma_wait3A_70 = arith.constant 0 : i32
    %dma_wait3A_71 = tpu.memref_slice %arg2[%dma_wait3A_69, %dma_wait3A_70] : memref<4096x1024xf32, #tpu.memory_space<hbm>> -> memref<4096x1024xf32, #tpu.memory_space<hbm>>
    tpu.wait_indirect_dma semaphore(%arg11 : memref<!tpu.dma_semaphore, #tpu.memory_space<semaphore_mem>>) src(%dma_wait3A_71 : memref<4096x1024xf32, #tpu.memory_space<hbm>>) dst(%arg7 : memref<32x1024xf32, #tpu.memory_space<vmem>>)
    %mul3A_72 = arith.constant 128 : i32
    %mul3A_73 = arith.muli %add3A, %mul3A_72 : i32
    %add3A_74 = arith.constant 64 : i32
    %add3A_75 = arith.addi %mul3A_73, %add3A_74 : i32
    %multiple_of3A_76 = tpu.assume_multiple %add3A_75, 32 : i32
    %dma_start3A_77 = arith.constant 0 : i32
    %dma_start3A_78 = tpu.memref_slice %arg4[%multiple_of3A_76, %dma_start3A_77] : memref<4096x1024xf32, #tpu.memory_space<hbm>> -> memref<32x1024xf32, #tpu.memory_space<hbm>>
    %dma_start3A_79 = arith.constant 0 : i32
    %dma_start3A_80 = tpu.memref_slice %arg4[%multiple_of3A_76, %dma_start3A_79] : memref<4096x1024xf32, #tpu.memory_space<hbm>> -> memref<32x1024xf32, #tpu.memory_space<hbm>>
    tpu.enqueue_dma source(%arg7 : memref<32x1024xf32, #tpu.memory_space<vmem>>) target(%dma_start3A_80 : memref<32x1024xf32, #tpu.memory_space<hbm>>) target_semaphore(%arg13 : memref<!tpu.dma_semaphore, #tpu.memory_space<semaphore_mem>>)
    %dma_wait3A_81 = tpu.memref_slice %arg3[%multiple_of3A_66] : memref<4096xi32, #tpu.memory_space<hbm>> -> memref<32xi32, #tpu.memory_space<hbm>>
    %dma_wait3A_82 = tpu.memref_slice %arg3[%multiple_of3A_66] : memref<4096xi32, #tpu.memory_space<hbm>> -> memref<32xi32, #tpu.memory_space<hbm>>
    tpu.wait_dma2 semaphore(%arg10 : memref<!tpu.dma_semaphore, #tpu.memory_space<semaphore_mem>>) src(%dma_wait3A_82 : memref<32xi32, #tpu.memory_space<hbm>>) dst(%arg6 : memref<32xi32, #tpu.memory_space<vmem>>)
    %dma_wait3A_83 = arith.constant 0 : i32
    %dma_wait3A_84 = tpu.memref_slice %arg4[%multiple_of3A_48, %dma_wait3A_83] : memref<4096x1024xf32, #tpu.memory_space<hbm>> -> memref<32x1024xf32, #tpu.memory_space<hbm>>
    %dma_wait3A_85 = arith.constant 0 : i32
    %dma_wait3A_86 = tpu.memref_slice %arg4[%multiple_of3A_48, %dma_wait3A_85] : memref<4096x1024xf32, #tpu.memory_space<hbm>> -> memref<32x1024xf32, #tpu.memory_space<hbm>>
    tpu.wait_dma2 semaphore(%arg14 : memref<!tpu.dma_semaphore, #tpu.memory_space<semaphore_mem>>) src(%arg8 : memref<32x1024xf32, #tpu.memory_space<vmem>>) dst(%dma_wait3A_86 : memref<32x1024xf32, #tpu.memory_space<hbm>>)
    %dma_start3A_87 = arith.constant 0 : i32
    %dma_start3A_88 = arith.constant 0 : i32
    %dma_start3A_89 = tpu.memref_slice %arg2[%dma_start3A_87, %dma_start3A_88] : memref<4096x1024xf32, #tpu.memory_space<hbm>> -> memref<4096x1024xf32, #tpu.memory_space<hbm>>
    tpu.enqueue_indirect_dma source(%dma_start3A_89 : memref<4096x1024xf32, #tpu.memory_space<hbm>>) target(%arg8 : memref<32x1024xf32, #tpu.memory_space<vmem>>) offsets(%arg6 : memref<32xi32, #tpu.memory_space<vmem>>) semaphore(%arg12 : memref<!tpu.dma_semaphore, #tpu.memory_space<semaphore_mem>>)
    %dma_wait3A_90 = arith.constant 0 : i32
    %dma_wait3A_91 = arith.constant 0 : i32
    %dma_wait3A_92 = tpu.memref_slice %arg2[%dma_wait3A_90, %dma_wait3A_91] : memref<4096x1024xf32, #tpu.memory_space<hbm>> -> memref<4096x1024xf32, #tpu.memory_space<hbm>>
    tpu.wait_indirect_dma semaphore(%arg12 : memref<!tpu.dma_semaphore, #tpu.memory_space<semaphore_mem>>) src(%dma_wait3A_92 : memref<4096x1024xf32, #tpu.memory_space<hbm>>) dst(%arg8 : memref<32x1024xf32, #tpu.memory_space<vmem>>)
    %mul3A_93 = arith.constant 128 : i32
    %mul3A_94 = arith.muli %add3A, %mul3A_93 : i32
    %add3A_95 = arith.constant 96 : i32
    %add3A_96 = arith.addi %mul3A_94, %add3A_95 : i32
    %multiple_of3A_97 = tpu.assume_multiple %add3A_96, 32 : i32
    %dma_start3A_98 = arith.constant 0 : i32
    %dma_start3A_99 = tpu.memref_slice %arg4[%multiple_of3A_97, %dma_start3A_98] : memref<4096x1024xf32, #tpu.memory_space<hbm>> -> memref<32x1024xf32, #tpu.memory_space<hbm>>
    %dma_start3A_100 = arith.constant 0 : i32
    %dma_start3A_101 = tpu.memref_slice %arg4[%multiple_of3A_97, %dma_start3A_100] : memref<4096x1024xf32, #tpu.memory_space<hbm>> -> memref<32x1024xf32, #tpu.memory_space<hbm>>
    tpu.enqueue_dma source(%arg8 : memref<32x1024xf32, #tpu.memory_space<vmem>>) target(%dma_start3A_101 : memref<32x1024xf32, #tpu.memory_space<hbm>>) target_semaphore(%arg14 : memref<!tpu.dma_semaphore, #tpu.memory_space<semaphore_mem>>)
    %dma_wait3A_102 = arith.constant 0 : i32
    %dma_wait3A_103 = tpu.memref_slice %arg4[%multiple_of3A_76, %dma_wait3A_102] : memref<4096x1024xf32, #tpu.memory_space<hbm>> -> memref<32x1024xf32, #tpu.memory_space<hbm>>
    %dma_wait3A_104 = arith.constant 0 : i32
    %dma_wait3A_105 = tpu.memref_slice %arg4[%multiple_of3A_76, %dma_wait3A_104] : memref<4096x1024xf32, #tpu.memory_space<hbm>> -> memref<32x1024xf32, #tpu.memory_space<hbm>>
    tpu.wait_dma2 semaphore(%arg13 : memref<!tpu.dma_semaphore, #tpu.memory_space<semaphore_mem>>) src(%arg7 : memref<32x1024xf32, #tpu.memory_space<vmem>>) dst(%dma_wait3A_105 : memref<32x1024xf32, #tpu.memory_space<hbm>>)
    %dma_wait3A_106 = arith.constant 0 : i32
    %dma_wait3A_107 = tpu.memref_slice %arg4[%multiple_of3A_97, %dma_wait3A_106] : memref<4096x1024xf32, #tpu.memory_space<hbm>> -> memref<32x1024xf32, #tpu.memory_space<hbm>>
    %dma_wait3A_108 = arith.constant 0 : i32
    %dma_wait3A_109 = tpu.memref_slice %arg4[%multiple_of3A_97, %dma_wait3A_108] : memref<4096x1024xf32, #tpu.memory_space<hbm>> -> memref<32x1024xf32, #tpu.memory_space<hbm>>
    tpu.wait_dma2 semaphore(%arg14 : memref<!tpu.dma_semaphore, #tpu.memory_space<semaphore_mem>>) src(%arg8 : memref<32x1024xf32, #tpu.memory_space<vmem>>) dst(%dma_wait3A_109 : memref<32x1024xf32, #tpu.memory_space<hbm>>)
    return
  }
}

#map = affine_map<(d0, d1) -> (0, 0)>
#map1 = affine_map<(d0, d1) -> (0)>
module attributes {stable_mosaic.version = 14 : i64} {
  func.func @_dispatch(%arg0: i32, %arg1: i32, %arg2: memref<4096x640xi32, #tpu.memory_space<hbm>>, %arg3: memref<4096xi32, #tpu.memory_space<hbm>>, %arg4: memref<4096x640xi32, #tpu.memory_space<hbm>>, %arg5: memref<64xi32, #tpu.memory_space<vmem>>, %arg6: memref<64xi32, #tpu.memory_space<vmem>>, %arg7: memref<64x640xi32, #tpu.memory_space<vmem>>, %arg8: memref<64x640xi32, #tpu.memory_space<vmem>>, %arg9: memref<!tpu.dma_semaphore, #tpu.memory_space<semaphore_mem>>, %arg10: memref<!tpu.dma_semaphore, #tpu.memory_space<semaphore_mem>>, %arg11: memref<!tpu.dma_semaphore, #tpu.memory_space<semaphore_mem>>, %arg12: memref<!tpu.dma_semaphore, #tpu.memory_space<semaphore_mem>>, %arg13: memref<!tpu.dma_semaphore, #tpu.memory_space<semaphore_mem>>, %arg14: memref<!tpu.dma_semaphore, #tpu.memory_space<semaphore_mem>>) attributes {dimension_semantics = [#tpu.dimension_semantics<core_parallel>, #tpu.dimension_semantics<subcore_parallel>], iteration_bounds = array<i64: 2, 16>, scalar_prefetch = 0 : i64, scratch_operands = 10 : i64, tpu.core_type = #tpu.core_type<sc_vector_subcore>, window_params = [{transform_indices = #map}, {transform_indices = #map1}, {transform_indices = #map}]} {
    %mul3A = arith.constant 2 : i32
    %mul3A_0 = arith.muli %arg1, %mul3A : i32
    %add3A = arith.addi %mul3A_0, %arg0 : i32
    %mul3A_1 = arith.constant 128 : i32
    %mul3A_2 = arith.muli %add3A, %mul3A_1 : i32
    %add3A_3 = arith.constant 0 : i32
    %add3A_4 = arith.addi %mul3A_2, %add3A_3 : i32
    %multiple_of3A = tpu.assume_multiple %add3A_4, 64 : i32
    %dma_start3A = tpu.memref_slice %arg3[%multiple_of3A] : memref<4096xi32, #tpu.memory_space<hbm>> -> memref<64xi32, #tpu.memory_space<hbm>>
    %dma_start3A_5 = tpu.memref_slice %arg3[%multiple_of3A] : memref<4096xi32, #tpu.memory_space<hbm>> -> memref<64xi32, #tpu.memory_space<hbm>>
    tpu.enqueue_dma source(%dma_start3A_5 : memref<64xi32, #tpu.memory_space<hbm>>) target(%arg5 : memref<64xi32, #tpu.memory_space<vmem>>) target_semaphore(%arg9 : memref<!tpu.dma_semaphore, #tpu.memory_space<semaphore_mem>>)
    %mul3A_6 = arith.constant 128 : i32
    %mul3A_7 = arith.muli %add3A, %mul3A_6 : i32
    %add3A_8 = arith.constant 0 : i32
    %add3A_9 = arith.addi %mul3A_7, %add3A_8 : i32
    %multiple_of3A_10 = tpu.assume_multiple %add3A_9, 64 : i32
    %dma_start3A_11 = arith.constant 0 : i32
    %dma_start3A_12 = tpu.memref_slice %arg2[%multiple_of3A_10, %dma_start3A_11] : memref<4096x640xi32, #tpu.memory_space<hbm>> -> memref<64x640xi32, #tpu.memory_space<hbm>>
    %dma_start3A_13 = arith.constant 0 : i32
    %dma_start3A_14 = tpu.memref_slice %arg2[%multiple_of3A_10, %dma_start3A_13] : memref<4096x640xi32, #tpu.memory_space<hbm>> -> memref<64x640xi32, #tpu.memory_space<hbm>>
    tpu.enqueue_dma source(%dma_start3A_14 : memref<64x640xi32, #tpu.memory_space<hbm>>) target(%arg7 : memref<64x640xi32, #tpu.memory_space<vmem>>) target_semaphore(%arg11 : memref<!tpu.dma_semaphore, #tpu.memory_space<semaphore_mem>>)
    %dma_wait3A = tpu.memref_slice %arg3[%multiple_of3A] : memref<4096xi32, #tpu.memory_space<hbm>> -> memref<64xi32, #tpu.memory_space<hbm>>
    %dma_wait3A_15 = tpu.memref_slice %arg3[%multiple_of3A] : memref<4096xi32, #tpu.memory_space<hbm>> -> memref<64xi32, #tpu.memory_space<hbm>>
    tpu.wait_dma2 semaphore(%arg9 : memref<!tpu.dma_semaphore, #tpu.memory_space<semaphore_mem>>) src(%dma_wait3A_15 : memref<64xi32, #tpu.memory_space<hbm>>) dst(%arg5 : memref<64xi32, #tpu.memory_space<vmem>>)
    %dma_wait3A_16 = arith.constant 0 : i32
    %dma_wait3A_17 = tpu.memref_slice %arg2[%multiple_of3A_10, %dma_wait3A_16] : memref<4096x640xi32, #tpu.memory_space<hbm>> -> memref<64x640xi32, #tpu.memory_space<hbm>>
    %dma_wait3A_18 = arith.constant 0 : i32
    %dma_wait3A_19 = tpu.memref_slice %arg2[%multiple_of3A_10, %dma_wait3A_18] : memref<4096x640xi32, #tpu.memory_space<hbm>> -> memref<64x640xi32, #tpu.memory_space<hbm>>
    tpu.wait_dma2 semaphore(%arg11 : memref<!tpu.dma_semaphore, #tpu.memory_space<semaphore_mem>>) src(%dma_wait3A_19 : memref<64x640xi32, #tpu.memory_space<hbm>>) dst(%arg7 : memref<64x640xi32, #tpu.memory_space<vmem>>)
    %dma_start3A_20 = arith.constant 0 : i32
    %dma_start3A_21 = arith.constant 0 : i32
    %dma_start3A_22 = tpu.memref_slice %arg4[%dma_start3A_20, %dma_start3A_21] : memref<4096x640xi32, #tpu.memory_space<hbm>> -> memref<4096x640xi32, #tpu.memory_space<hbm>>
    tpu.enqueue_indirect_dma source(%arg7 : memref<64x640xi32, #tpu.memory_space<vmem>>) target(%dma_start3A_22 : memref<4096x640xi32, #tpu.memory_space<hbm>>) offsets(%arg5 : memref<64xi32, #tpu.memory_space<vmem>>) semaphore(%arg13 : memref<!tpu.dma_semaphore, #tpu.memory_space<semaphore_mem>>)
    %mul3A_23 = arith.constant 128 : i32
    %mul3A_24 = arith.muli %add3A, %mul3A_23 : i32
    %add3A_25 = arith.constant 64 : i32
    %add3A_26 = arith.addi %mul3A_24, %add3A_25 : i32
    %multiple_of3A_27 = tpu.assume_multiple %add3A_26, 64 : i32
    %dma_start3A_28 = tpu.memref_slice %arg3[%multiple_of3A_27] : memref<4096xi32, #tpu.memory_space<hbm>> -> memref<64xi32, #tpu.memory_space<hbm>>
    %dma_start3A_29 = tpu.memref_slice %arg3[%multiple_of3A_27] : memref<4096xi32, #tpu.memory_space<hbm>> -> memref<64xi32, #tpu.memory_space<hbm>>
    tpu.enqueue_dma source(%dma_start3A_29 : memref<64xi32, #tpu.memory_space<hbm>>) target(%arg6 : memref<64xi32, #tpu.memory_space<vmem>>) target_semaphore(%arg10 : memref<!tpu.dma_semaphore, #tpu.memory_space<semaphore_mem>>)
    %mul3A_30 = arith.constant 128 : i32
    %mul3A_31 = arith.muli %add3A, %mul3A_30 : i32
    %add3A_32 = arith.constant 64 : i32
    %add3A_33 = arith.addi %mul3A_31, %add3A_32 : i32
    %multiple_of3A_34 = tpu.assume_multiple %add3A_33, 64 : i32
    %dma_start3A_35 = arith.constant 0 : i32
    %dma_start3A_36 = tpu.memref_slice %arg2[%multiple_of3A_34, %dma_start3A_35] : memref<4096x640xi32, #tpu.memory_space<hbm>> -> memref<64x640xi32, #tpu.memory_space<hbm>>
    %dma_start3A_37 = arith.constant 0 : i32
    %dma_start3A_38 = tpu.memref_slice %arg2[%multiple_of3A_34, %dma_start3A_37] : memref<4096x640xi32, #tpu.memory_space<hbm>> -> memref<64x640xi32, #tpu.memory_space<hbm>>
    tpu.enqueue_dma source(%dma_start3A_38 : memref<64x640xi32, #tpu.memory_space<hbm>>) target(%arg8 : memref<64x640xi32, #tpu.memory_space<vmem>>) target_semaphore(%arg12 : memref<!tpu.dma_semaphore, #tpu.memory_space<semaphore_mem>>)
    %dma_wait3A_39 = tpu.memref_slice %arg3[%multiple_of3A_27] : memref<4096xi32, #tpu.memory_space<hbm>> -> memref<64xi32, #tpu.memory_space<hbm>>
    %dma_wait3A_40 = tpu.memref_slice %arg3[%multiple_of3A_27] : memref<4096xi32, #tpu.memory_space<hbm>> -> memref<64xi32, #tpu.memory_space<hbm>>
    tpu.wait_dma2 semaphore(%arg10 : memref<!tpu.dma_semaphore, #tpu.memory_space<semaphore_mem>>) src(%dma_wait3A_40 : memref<64xi32, #tpu.memory_space<hbm>>) dst(%arg6 : memref<64xi32, #tpu.memory_space<vmem>>)
    %dma_wait3A_41 = arith.constant 0 : i32
    %dma_wait3A_42 = tpu.memref_slice %arg2[%multiple_of3A_34, %dma_wait3A_41] : memref<4096x640xi32, #tpu.memory_space<hbm>> -> memref<64x640xi32, #tpu.memory_space<hbm>>
    %dma_wait3A_43 = arith.constant 0 : i32
    %dma_wait3A_44 = tpu.memref_slice %arg2[%multiple_of3A_34, %dma_wait3A_43] : memref<4096x640xi32, #tpu.memory_space<hbm>> -> memref<64x640xi32, #tpu.memory_space<hbm>>
    tpu.wait_dma2 semaphore(%arg12 : memref<!tpu.dma_semaphore, #tpu.memory_space<semaphore_mem>>) src(%dma_wait3A_44 : memref<64x640xi32, #tpu.memory_space<hbm>>) dst(%arg8 : memref<64x640xi32, #tpu.memory_space<vmem>>)
    %dma_start3A_45 = arith.constant 0 : i32
    %dma_start3A_46 = arith.constant 0 : i32
    %dma_start3A_47 = tpu.memref_slice %arg4[%dma_start3A_45, %dma_start3A_46] : memref<4096x640xi32, #tpu.memory_space<hbm>> -> memref<4096x640xi32, #tpu.memory_space<hbm>>
    tpu.enqueue_indirect_dma source(%arg8 : memref<64x640xi32, #tpu.memory_space<vmem>>) target(%dma_start3A_47 : memref<4096x640xi32, #tpu.memory_space<hbm>>) offsets(%arg6 : memref<64xi32, #tpu.memory_space<vmem>>) semaphore(%arg14 : memref<!tpu.dma_semaphore, #tpu.memory_space<semaphore_mem>>)
    %dma_wait3A_48 = arith.constant 0 : i32
    %dma_wait3A_49 = arith.constant 0 : i32
    %dma_wait3A_50 = tpu.memref_slice %arg4[%dma_wait3A_48, %dma_wait3A_49] : memref<4096x640xi32, #tpu.memory_space<hbm>> -> memref<4096x640xi32, #tpu.memory_space<hbm>>
    tpu.wait_indirect_dma semaphore(%arg13 : memref<!tpu.dma_semaphore, #tpu.memory_space<semaphore_mem>>) src(%arg7 : memref<64x640xi32, #tpu.memory_space<vmem>>) dst(%dma_wait3A_50 : memref<4096x640xi32, #tpu.memory_space<hbm>>)
    %dma_wait3A_51 = arith.constant 0 : i32
    %dma_wait3A_52 = arith.constant 0 : i32
    %dma_wait3A_53 = tpu.memref_slice %arg4[%dma_wait3A_51, %dma_wait3A_52] : memref<4096x640xi32, #tpu.memory_space<hbm>> -> memref<4096x640xi32, #tpu.memory_space<hbm>>
    tpu.wait_indirect_dma semaphore(%arg14 : memref<!tpu.dma_semaphore, #tpu.memory_space<semaphore_mem>>) src(%arg8 : memref<64x640xi32, #tpu.memory_space<vmem>>) dst(%dma_wait3A_53 : memref<4096x640xi32, #tpu.memory_space<hbm>>)
    return
  }
}

module attributes {stable_mosaic.version = 14 : i64} {
  func.func @_route_block(%arg0: i32, %arg1: memref<512x1024xf32, #tpu.memory_space<vmem>>, %arg2: memref<8x1024xf32, #tpu.memory_space<vmem>>, %arg3: memref<8xf32, #tpu.memory_space<vmem>>, %arg4: memref<512x640xi32, #tpu.memory_space<vmem>>, %arg5: memref<512xi32, #tpu.memory_space<vmem>>, %arg6: memref<512xi32, #tpu.memory_space<vmem>>, %arg7: memref<1x8xf32, #tpu.memory_space<vmem>>, %arg8: memref<1x8xf32, #tpu.memory_space<vmem>>) attributes {dimension_semantics = [#tpu.dimension_semantics<arbitrary>], iteration_bounds = array<i64: 8>, scalar_prefetch = 0 : i64, scratch_operands = 1 : i64, tpu.core_type = #tpu.core_type<tc>, window_params = [{transform_indices = @transform_0, window_bounds = array<i64: 512, 1024>}, {pipeline_mode = #tpu.pipeline_mode<synchronous>, transform_indices = @transform_1, window_bounds = array<i64: 8, 1024>}, {pipeline_mode = #tpu.pipeline_mode<synchronous>, transform_indices = @transform_2, window_bounds = array<i64: 8>}, {transform_indices = @transform_3, window_bounds = array<i64: 512, 640>}, {transform_indices = @transform_4, window_bounds = array<i64: 512>}, {transform_indices = @transform_5, window_bounds = array<i64: 512>}, {pipeline_mode = #tpu.pipeline_mode<synchronous>, transform_indices = @transform_6, window_bounds = array<i64: 1, 8>}]} {
    %get3A = arith.constant 0 : index
    %get3A_0 = arith.constant 0 : index
    %get3A_1 = vector.load %arg1[%get3A, %get3A_0] : memref<512x1024xf32, #tpu.memory_space<vmem>>, vector<512x1024xf32>
    %get3A_2 = arith.constant 0 : index
    %get3A_3 = arith.constant 0 : index
    %get3A_4 = vector.load %arg2[%get3A_2, %get3A_3] : memref<8x1024xf32, #tpu.memory_space<vmem>>, vector<8x1024xf32>
    %transpose3A = tpu.transpose %get3A_4, [1, 0] : vector<8x1024xf32> -> vector<1024x8xf32>
    %dot_general3A = arith.constant dense<0.000000e+00> : vector<512x8xf32>
    %dot_general3A_5 = tpu.matmul %get3A_1, %transpose3A, %dot_general3A {dimension_numbers = #tpu.dot_dimension_numbers<[1], [0], [0], [1], [0, 0, 1, 1], [], []>, transpose_lhs_hint = false} : vector<512x1024xf32>, vector<1024x8xf32>, vector<512x8xf32> -> vector<512x8xf32>
    %get3A_6 = arith.constant 0 : index
    %get3A_7 = vector.load %arg3[%get3A_6] : memref<8xf32, #tpu.memory_space<vmem>>, vector<8xf32>
    %broadcast_in_dim3A = vector.shape_cast %get3A_7 : vector<8xf32> to vector<1x8xf32>
    %add3A = vector.broadcast %broadcast_in_dim3A : vector<1x8xf32> to vector<512x8xf32>
    %add3A_8 = arith.addf %dot_general3A_5, %add3A : vector<512x8xf32>
    %reduce_max3A = arith.constant dense<0xFF800000> : vector<512xf32>
    %reduce_max3A_9 = vector.multi_reduction <maximumf>, %add3A_8, %reduce_max3A [1] : vector<512x8xf32> to vector<512xf32>
    %broadcast_in_dim3A_10 = vector.shape_cast %reduce_max3A_9 : vector<512xf32> to vector<512x1xf32>
    %sub3A = vector.broadcast %broadcast_in_dim3A_10 : vector<512x1xf32> to vector<512x8xf32>
    %sub3A_11 = arith.subf %add3A_8, %sub3A : vector<512x8xf32>
    %exp3A = math.exp %sub3A_11 : vector<512x8xf32>
    %reduce_sum3A = arith.constant dense<0.000000e+00> : vector<512xf32>
    %reduce_sum3A_12 = vector.multi_reduction <add>, %exp3A, %reduce_sum3A [1] : vector<512x8xf32> to vector<512xf32>
    %broadcast_in_dim3A_13 = vector.shape_cast %reduce_sum3A_12 : vector<512xf32> to vector<512x1xf32>
    %div3A = arith.constant 1.000000e+00 : f32
    %div3A_14 = vector.broadcast %div3A : f32 to vector<512x1xf32>
    %div3A_15 = arith.divf %div3A_14, %broadcast_in_dim3A_13 : vector<512x1xf32>
    %iota3A = tpu.iota {dimensions = array<i32: 1>} : vector<512x8xi32>
    %eq3A = vector.broadcast %broadcast_in_dim3A_10 : vector<512x1xf32> to vector<512x8xf32>
    %eq3A_16 = arith.cmpf oeq, %add3A_8, %eq3A : vector<512x8xf32>
    %jit3A = arith.constant 8 : i32
    %broadcast_in_dim3A_17 = vector.broadcast %jit3A : i32 to vector<512x8xi32>
    %select_n3A = arith.select %eq3A_16, %iota3A, %broadcast_in_dim3A_17 : vector<512x8xi1>, vector<512x8xi32>
    %reduce_min3A = arith.constant dense<2147483647> : vector<512xi32>
    %reduce_min3A_18 = vector.multi_reduction <minsi>, %select_n3A, %reduce_min3A [1] : vector<512x8xi32> to vector<512xi32>
    %broadcast_in_dim3A_19 = vector.shape_cast %reduce_min3A_18 : vector<512xi32> to vector<512x1xi32>
    %mul3A = arith.constant 8.000000e+00 : f32
    %mul3A_20 = vector.broadcast %mul3A : f32 to vector<512x1xf32>
    %mul3A_21 = arith.mulf %mul3A_20, %div3A_15 : vector<512x1xf32>
    %mul3A_22 = vector.broadcast %mul3A_21 : vector<512x1xf32> to vector<512x1024xf32>
    %mul3A_23 = arith.mulf %mul3A_22, %get3A_1 : vector<512x1024xf32>
    %iota3A_24 = tpu.iota {dimensions = array<i32: 1>} : vector<512x256xi32>
    %eq3A_25 = arith.constant 0 : i32
    %eq3A_26 = vector.broadcast %eq3A_25 : i32 to vector<512x256xi32>
    %eq3A_27 = arith.cmpi eq, %iota3A_24, %eq3A_26 : vector<512x256xi32>
    %jit3A_28 = arith.constant 0.000000e+00 : f32
    %broadcast_in_dim3A_29 = vector.shape_cast %mul3A_21 : vector<512x1xf32> to vector<512x1xf32>
    %broadcast_in_dim3A_30 = vector.broadcast %broadcast_in_dim3A_29 : vector<512x1xf32> to vector<512x256xf32>
    %broadcast_in_dim3A_31 = vector.broadcast %jit3A_28 : f32 to vector<512x256xf32>
    %select_n3A_32 = arith.select %eq3A_27, %broadcast_in_dim3A_30, %broadcast_in_dim3A_31 : vector<512x256xi1>, vector<512x256xf32>
    %slice3A = vector.extract_strided_slice %mul3A_23 {offsets = [0, 0], sizes = [512, 640], strides = [1, 1]} : vector<512x1024xf32> to vector<512x640xf32>
    %slice3A_33 = vector.extract_strided_slice %mul3A_23 {offsets = [0, 640], sizes = [512, 384], strides = [1, 1]} : vector<512x1024xf32> to vector<512x384xf32>
    %concatenate3A = tpu.concatenate %slice3A_33, %select_n3A_32 in 1 : vector<512x384xf32>, vector<512x256xf32> -> vector<512x640xf32>
    %bitcast_convert_type3A = tpu.bitcast %slice3A : vector<512x640xf32> -> vector<512x640xi32>
    %add3A_34 = arith.constant 32768 : i32
    %add3A_35 = vector.broadcast %add3A_34 : i32 to vector<512x640xi32>
    %add3A_36 = arith.addi %bitcast_convert_type3A, %add3A_35 : vector<512x640xi32>
    %bitcast_convert_type3A_37 = tpu.bitcast %concatenate3A : vector<512x640xf32> -> vector<512x640xi32>
    %add3A_38 = arith.constant 32768 : i32
    %add3A_39 = vector.broadcast %add3A_38 : i32 to vector<512x640xi32>
    %add3A_40 = arith.addi %bitcast_convert_type3A_37, %add3A_39 : vector<512x640xi32>
    %shift_right_logical3A = arith.constant 16 : i32
    %shift_right_logical3A_41 = vector.broadcast %shift_right_logical3A : i32 to vector<512x640xi32>
    %shift_right_logical3A_42 = arith.shrui %add3A_36, %shift_right_logical3A_41 : vector<512x640xi32>
    %and3A = arith.constant -65536 : i32
    %and3A_43 = vector.broadcast %and3A : i32 to vector<512x640xi32>
    %and3A_44 = arith.andi %add3A_40, %and3A_43 : vector<512x640xi32>
    %or3A = arith.ori %shift_right_logical3A_42, %and3A_44 : vector<512x640xi32>
    %bitcast_convert_type3A_45 = tpu.bitcast %or3A : vector<512x640xi32> -> vector<512x640xi32>
    %swap3A = arith.constant 0 : index
    %swap3A_46 = arith.constant 0 : index
    %swap3A_47 = vector.load %arg4[%swap3A, %swap3A_46] : memref<512x640xi32, #tpu.memory_space<vmem>>, vector<512x640xi32>
    tpu.vector_store %arg4[%swap3A, %swap3A_46], %bitcast_convert_type3A_45 {strides = array<i32>} : memref<512x640xi32, #tpu.memory_space<vmem>>, vector<512x640xi32>,
    %squeeze3A = vector.shape_cast %broadcast_in_dim3A_19 : vector<512x1xi32> to vector<512xi32>
    %swap3A_48 = arith.constant 0 : index
    %swap3A_49 = vector.load %arg5[%swap3A_48] : memref<512xi32, #tpu.memory_space<vmem>>, vector<512xi32>
    tpu.vector_store %arg5[%swap3A_48], %squeeze3A {strides = array<i32>} : memref<512xi32, #tpu.memory_space<vmem>>, vector<512xi32>,
    %eq3A_50 = vector.broadcast %broadcast_in_dim3A_19 : vector<512x1xi32> to vector<512x8xi32>
    %eq3A_51 = arith.cmpi eq, %eq3A_50, %iota3A : vector<512x8xi32>
    %convert_element_type3A = arith.extui %eq3A_51 : vector<512x8xi1> to vector<512x8xi32>
    %convert_element_type3A_52 = arith.sitofp %convert_element_type3A : vector<512x8xi32> to vector<512x8xf32>
    %iota3A_53 = tpu.iota {dimensions = array<i32: 0>} : vector<512x512xi32>
    %iota3A_54 = tpu.iota {dimensions = array<i32: 1>} : vector<512x512xi32>
    %ge3A = arith.cmpi sge, %iota3A_53, %iota3A_54 : vector<512x512xi32>
    %convert_element_type3A_55 = arith.extui %ge3A : vector<512x512xi1> to vector<512x512xi32>
    %convert_element_type3A_56 = arith.sitofp %convert_element_type3A_55 : vector<512x512xi32> to vector<512x512xf32>
    %dot_general3A_57 = arith.constant dense<0.000000e+00> : vector<512x8xf32>
    %dot_general3A_58 = tpu.matmul %convert_element_type3A_56, %convert_element_type3A_52, %dot_general3A_57 {dimension_numbers = #tpu.dot_dimension_numbers<[1], [0], [0], [1], [0, 0, 1, 1], [], []>, transpose_lhs_hint = false} : vector<512x512xf32>, vector<512x8xf32>, vector<512x8xf32> -> vector<512x8xf32>
    %eq3A_59 = arith.constant 0 : i32
    %eq3A_60 = arith.cmpi eq, %arg0, %eq3A_59 : i32
    %convert_element_type3A_61 = arith.extui %eq3A_60 : i1 to i32
    %cond3A = arith.constant 0 : i32
    %cond3A_62 = arith.cmpi ne, %convert_element_type3A_61, %cond3A : i32
    scf.if %cond3A_62 {
      %broadcast_in_dim3A_94 = arith.constant 0.000000e+00 : f32
      %broadcast_in_dim3A_95 = vector.broadcast %broadcast_in_dim3A_94 : f32 to vector<1x8xf32>
      %swap3A_96 = arith.constant 0 : index
      %swap3A_97 = arith.constant 0 : index
      %swap3A_98 = vector.load %arg8[%swap3A_96, %swap3A_97] : memref<1x8xf32, #tpu.memory_space<vmem>>, vector<1x8xf32>
      tpu.vector_store %arg8[%swap3A_96, %swap3A_97], %broadcast_in_dim3A_95 {strides = array<i32>} : memref<1x8xf32, #tpu.memory_space<vmem>>, vector<1x8xf32>,
    } else {
    }
    %get3A_63 = arith.constant 0 : index
    %get3A_64 = arith.constant 0 : index
    %get3A_65 = vector.load %arg8[%get3A_63, %get3A_64] : memref<1x8xf32, #tpu.memory_space<vmem>>, vector<1x8xf32>
    %get3A_66 = vector.shape_cast %get3A_65 : vector<1x8xf32> to vector<8xf32>
    %mul3A_67 = arith.mulf %convert_element_type3A_52, %dot_general3A_58 : vector<512x8xf32>
    %reduce_sum3A_68 = arith.constant dense<0.000000e+00> : vector<512xf32>
    %reduce_sum3A_69 = vector.multi_reduction <add>, %mul3A_67, %reduce_sum3A_68 [1] : vector<512x8xf32> to vector<512xf32>
    %sub3A_70 = arith.constant 1.000000e+00 : f32
    %sub3A_71 = vector.broadcast %sub3A_70 : f32 to vector<512xf32>
    %sub3A_72 = arith.subf %reduce_sum3A_69, %sub3A_71 : vector<512xf32>
    %broadcast_in_dim3A_73 = vector.shape_cast %get3A_66 : vector<8xf32> to vector<1x8xf32>
    %mul3A_74 = vector.broadcast %broadcast_in_dim3A_73 : vector<1x8xf32> to vector<512x8xf32>
    %mul3A_75 = arith.mulf %convert_element_type3A_52, %mul3A_74 : vector<512x8xf32>
    %reduce_sum3A_76 = arith.constant dense<0.000000e+00> : vector<512xf32>
    %reduce_sum3A_77 = vector.multi_reduction <add>, %mul3A_75, %reduce_sum3A_76 [1] : vector<512x8xf32> to vector<512xf32>
    %add3A_78 = arith.addf %sub3A_72, %reduce_sum3A_77 : vector<512xf32>
    %convert_element_type3A_79 = arith.fptosi %add3A_78 : vector<512xf32> to vector<512xi32>
    %swap3A_80 = arith.constant 0 : index
    %swap3A_81 = vector.load %arg6[%swap3A_80] : memref<512xi32, #tpu.memory_space<vmem>>, vector<512xi32>
    tpu.vector_store %arg6[%swap3A_80], %convert_element_type3A_79 {strides = array<i32>} : memref<512xi32, #tpu.memory_space<vmem>>, vector<512xi32>,
    %reduce_sum3A_82 = arith.constant dense<0.000000e+00> : vector<8xf32>
    %reduce_sum3A_83 = vector.multi_reduction <add>, %convert_element_type3A_52, %reduce_sum3A_82 [0] : vector<512x8xf32> to vector<8xf32>
    %add3A_84 = arith.addf %get3A_66, %reduce_sum3A_83 : vector<8xf32>
    %swap3A_85 = arith.constant 0 : index
    %swap3A_86 = arith.constant 0 : index
    %swap3A_87 = vector.load %arg8[%swap3A_85, %swap3A_86] : memref<1x8xf32, #tpu.memory_space<vmem>>, vector<1x8xf32>
    %swap3A_88 = vector.shape_cast %swap3A_87 : vector<1x8xf32> to vector<8xf32>
    %swap3A_89 = vector.shape_cast %add3A_84 : vector<8xf32> to vector<1x8xf32>
    tpu.vector_store %arg8[%swap3A_85, %swap3A_86], %swap3A_89 {strides = array<i32>} : memref<1x8xf32, #tpu.memory_space<vmem>>, vector<1x8xf32>,
    %broadcast_in_dim3A_90 = vector.shape_cast %add3A_84 : vector<8xf32> to vector<1x8xf32>
    %swap3A_91 = arith.constant 0 : index
    %swap3A_92 = arith.constant 0 : index
    %swap3A_93 = vector.load %arg7[%swap3A_91, %swap3A_92] : memref<1x8xf32, #tpu.memory_space<vmem>>, vector<1x8xf32>
    tpu.vector_store %arg7[%swap3A_91, %swap3A_92], %broadcast_in_dim3A_90 {strides = array<i32>} : memref<1x8xf32, #tpu.memory_space<vmem>>, vector<1x8xf32>,
    return
  }
  func.func @transform_0(%arg0: i32) -> (i32, i32) {
    %c0_i32 = arith.constant 0 : i32
    %c0_i32_0 = arith.constant 0 : i32
    return %arg0, %c0_i32 : i32, i32
  }
  func.func @transform_1(%arg0: i32) -> (i32, i32) {
    %c0_i32 = arith.constant 0 : i32
    %c0_i32_0 = arith.constant 0 : i32
    %c0_i32_1 = arith.constant 0 : i32
    return %c0_i32, %c0_i32_0 : i32, i32
  }
  func.func @transform_2(%arg0: i32) -> i32 {
    %c0_i32 = arith.constant 0 : i32
    %c0_i32_0 = arith.constant 0 : i32
    return %c0_i32 : i32
  }
  func.func @transform_3(%arg0: i32) -> (i32, i32) {
    %c0_i32 = arith.constant 0 : i32
    %c0_i32_0 = arith.constant 0 : i32
    return %arg0, %c0_i32 : i32, i32
  }
  func.func @transform_4(%arg0: i32) -> i32 {
    %c0_i32 = arith.constant 0 : i32
    return %arg0 : i32
  }
  func.func @transform_5(%arg0: i32) -> i32 {
    %c0_i32 = arith.constant 0 : i32
    return %arg0 : i32
  }
  func.func @transform_6(%arg0: i32) -> (i32, i32) {
    %c0_i32 = arith.constant 0 : i32
    %c0_i32_0 = arith.constant 0 : i32
    %c0_i32_1 = arith.constant 0 : i32
    return %c0_i32, %c0_i32_0 : i32, i32
  }
}

module attributes {stable_mosaic.version = 14 : i64} {
  func.func @_gmm_block(%arg0: i32, %arg1: memref<4x23xi32, #tpu.memory_space<smem>>, %arg2: memref<256x640xi32, #tpu.memory_space<vmem>>, %arg3: memref<1x1024x1024xf32, #tpu.memory_space<vmem>>, %arg4: memref<1x1x1024xf32, #tpu.memory_space<vmem>>, %arg5: memref<256x1024xf32, #tpu.memory_space<vmem>>, %arg6: memref<1024x1024xbf16, #tpu.memory_space<vmem>>) attributes {dimension_semantics = [#tpu.dimension_semantics<arbitrary>], iteration_bounds = array<i64: 23>, scalar_prefetch = 1 : i64, scratch_operands = 1 : i64, tpu.core_type = #tpu.core_type<tc>, window_params = [{transform_indices = @transform_0, window_bounds = array<i64: 256, 640>}, {transform_indices = @transform_1, window_bounds = array<i64: 1, 1024, 1024>}, {transform_indices = @transform_2, window_bounds = array<i64: 1, 1, 1024>}, {transform_indices = @transform_3, window_bounds = array<i64: 256, 1024>}]} {
    %get3A = arith.constant 1 : index
    %get3A_0 = arith.index_cast %arg0 : i32 to index
    %get3A_1 = memref.load %arg1[%get3A, %get3A_0] : memref<4x23xi32, #tpu.memory_space<smem>>
    %get3A_2 = arith.constant 2 : index
    %get3A_3 = arith.index_cast %arg0 : i32 to index
    %get3A_4 = memref.load %arg1[%get3A_2, %get3A_3] : memref<4x23xi32, #tpu.memory_space<smem>>
    %get3A_5 = arith.constant 3 : index
    %get3A_6 = arith.index_cast %arg0 : i32 to index
    %get3A_7 = memref.load %arg1[%get3A_5, %get3A_6] : memref<4x23xi32, #tpu.memory_space<smem>>
    %sub3A = arith.constant 1 : i32
    %sub3A_8 = arith.subi %arg0, %sub3A : i32
    %max3A = arith.constant 0 : i32
    %max3A_9 = arith.maxsi %sub3A_8, %max3A : i32
    %get3A_10 = arith.constant 1 : index
    %get3A_11 = arith.index_cast %max3A_9 : i32 to index
    %get3A_12 = memref.load %arg1[%get3A_10, %get3A_11] : memref<4x23xi32, #tpu.memory_space<smem>>
    %eq3A = arith.constant 0 : i32
    %eq3A_13 = arith.cmpi eq, %arg0, %eq3A : i32
    %ne3A = arith.cmpi ne, %get3A_1, %get3A_12 : i32
    %or3A = arith.ori %eq3A_13, %ne3A : i1
    %get3A_14 = arith.constant 0 : index
    %get3A_15 = arith.index_cast %arg0 : i32 to index
    %get3A_16 = memref.load %arg1[%get3A_14, %get3A_15] : memref<4x23xi32, #tpu.memory_space<smem>>
    %sub3A_17 = arith.constant 1 : i32
    %sub3A_18 = arith.subi %arg0, %sub3A_17 : i32
    %max3A_19 = arith.constant 0 : i32
    %max3A_20 = arith.maxsi %sub3A_18, %max3A_19 : i32
    %get3A_21 = arith.constant 0 : index
    %get3A_22 = arith.index_cast %max3A_20 : i32 to index
    %get3A_23 = memref.load %arg1[%get3A_21, %get3A_22] : memref<4x23xi32, #tpu.memory_space<smem>>
    %eq3A_24 = arith.constant 0 : i32
    %eq3A_25 = arith.cmpi eq, %arg0, %eq3A_24 : i32
    %ne3A_26 = arith.cmpi ne, %get3A_16, %get3A_23 : i32
    %or3A_27 = arith.ori %eq3A_25, %ne3A_26 : i1
    %convert_element_type3A = arith.extui %or3A_27 : i1 to i32
    %cond3A = arith.constant 0 : i32
    %cond3A_28 = arith.cmpi ne, %convert_element_type3A, %cond3A : i32
    scf.if %cond3A_28 {
      %get3A_32 = arith.constant 0 : index
      %get3A_33 = arith.constant 0 : index
      %get3A_34 = arith.constant 0 : index
      %get3A_35 = vector.load %arg3[%get3A_32, %get3A_33, %get3A_34] : memref<1x1024x1024xf32, #tpu.memory_space<vmem>>, vector<1x1024x1024xf32>
      %get3A_36 = vector.shape_cast %get3A_35 : vector<1x1024x1024xf32> to vector<1024x1024xf32>
      %convert_element_type3A_37 = arith.truncf %get3A_36 : vector<1024x1024xf32> to vector<1024x1024xbf16>
      %swap3A = arith.constant 0 : index
      %swap3A_38 = arith.constant 0 : index
      %swap3A_39 = vector.load %arg6[%swap3A, %swap3A_38] : memref<1024x1024xbf16, #tpu.memory_space<vmem>>, vector<1024x1024xbf16>
      tpu.vector_store %arg6[%swap3A, %swap3A_38], %convert_element_type3A_37 {strides = array<i32>} : memref<1024x1024xbf16, #tpu.memory_space<vmem>>, vector<1024x1024xbf16>,
    } else {
    }
    %lt3A = arith.cmpi slt, %get3A_4, %get3A_7 : i32
    %convert_element_type3A_29 = arith.extui %lt3A : i1 to i32
    %cond3A_30 = arith.constant 0 : i32
    %cond3A_31 = arith.cmpi ne, %convert_element_type3A_29, %cond3A_30 : i32
    scf.if %cond3A_31 {
      %get3A_32 = arith.constant 0 : index
      %get3A_33 = arith.constant 0 : index
      %get3A_34 = vector.load %arg2[%get3A_32, %get3A_33] : memref<256x640xi32, #tpu.memory_space<vmem>>, vector<256x640xi32>
      %bitcast_convert_type3A = tpu.bitcast %get3A_34 : vector<256x640xi32> -> vector<256x640xi32>
      %shift_left3A = arith.constant 16 : i32
      %shift_left3A_35 = vector.broadcast %shift_left3A : i32 to vector<256x640xi32>
      %shift_left3A_36 = arith.shli %bitcast_convert_type3A, %shift_left3A_35 : vector<256x640xi32>
      %bitcast_convert_type3A_37 = tpu.bitcast %shift_left3A_36 : vector<256x640xi32> -> vector<256x640xf32>
      %and3A = arith.constant -65536 : i32
      %and3A_38 = vector.broadcast %and3A : i32 to vector<256x640xi32>
      %and3A_39 = arith.andi %bitcast_convert_type3A, %and3A_38 : vector<256x640xi32>
      %bitcast_convert_type3A_40 = tpu.bitcast %and3A_39 : vector<256x640xi32> -> vector<256x640xf32>
      %get3A_41 = arith.constant 0 : index
      %get3A_42 = arith.constant 0 : index
      %get3A_43 = vector.load %arg6[%get3A_41, %get3A_42] : memref<1024x1024xbf16, #tpu.memory_space<vmem>>, vector<1024x1024xbf16>
      %convert_element_type3A_44 = arith.truncf %bitcast_convert_type3A_37 : vector<256x640xf32> to vector<256x640xbf16>
      %slice3A = vector.extract_strided_slice %get3A_43 {offsets = [0, 0], sizes = [1024, 640], strides = [1, 1]} : vector<1024x1024xbf16> to vector<1024x640xbf16>
      %transpose3A = tpu.transpose %slice3A, [1, 0] : vector<1024x640xbf16> -> vector<640x1024xbf16>
      %dot_general3A = arith.constant dense<0.000000e+00> : vector<256x1024xf32>
      %dot_general3A_45 = tpu.matmul %convert_element_type3A_44, %transpose3A, %dot_general3A {dimension_numbers = #tpu.dot_dimension_numbers<[1], [0], [0], [1], [0, 0, 1, 1], [], []>, transpose_lhs_hint = false} : vector<256x640xbf16>, vector<640x1024xbf16>, vector<256x1024xf32> -> vector<256x1024xf32>
      %slice3A_46 = vector.extract_strided_slice %bitcast_convert_type3A_40 {offsets = [0, 0], sizes = [256, 384], strides = [1, 1]} : vector<256x640xf32> to vector<256x384xf32>
      %convert_element_type3A_47 = arith.truncf %slice3A_46 : vector<256x384xf32> to vector<256x384xbf16>
      %slice3A_48 = vector.extract_strided_slice %get3A_43 {offsets = [0, 640], sizes = [1024, 384], strides = [1, 1]} : vector<1024x1024xbf16> to vector<1024x384xbf16>
      %transpose3A_49 = tpu.transpose %slice3A_48, [1, 0] : vector<1024x384xbf16> -> vector<384x1024xbf16>
      %dot_general3A_50 = arith.constant dense<0.000000e+00> : vector<256x1024xf32>
      %dot_general3A_51 = tpu.matmul %convert_element_type3A_47, %transpose3A_49, %dot_general3A_50 {dimension_numbers = #tpu.dot_dimension_numbers<[1], [0], [0], [1], [0, 0, 1, 1], [], []>, transpose_lhs_hint = false} : vector<256x384xbf16>, vector<384x1024xbf16>, vector<256x1024xf32> -> vector<256x1024xf32>
      %add3A = arith.addf %dot_general3A_45, %dot_general3A_51 : vector<256x1024xf32>
      %slice3A_52 = vector.extract_strided_slice %bitcast_convert_type3A_40 {offsets = [0, 384], sizes = [256, 256], strides = [1, 1]} : vector<256x640xf32> to vector<256x256xf32>
      %reduce_sum3A = arith.constant dense<0.000000e+00> : vector<256xf32>
      %reduce_sum3A_53 = vector.multi_reduction <add>, %slice3A_52, %reduce_sum3A [1] : vector<256x256xf32> to vector<256xf32>
      %broadcast_in_dim3A = vector.shape_cast %reduce_sum3A_53 : vector<256xf32> to vector<256x1xf32>
      %mul3A = arith.constant 256 : i32
      %mul3A_54 = arith.muli %get3A_1, %mul3A : i32
      %iota3A = tpu.iota {dimensions = array<i32: 0>} : vector<256x1xi32>
      %add3A_55 = vector.broadcast %mul3A_54 : i32 to vector<256x1xi32>
      %add3A_56 = arith.addi %add3A_55, %iota3A : vector<256x1xi32>
      %ge3A = vector.broadcast %get3A_4 : i32 to vector<256x1xi32>
      %ge3A_57 = arith.cmpi sge, %add3A_56, %ge3A : vector<256x1xi32>
      %lt3A_58 = vector.broadcast %get3A_7 : i32 to vector<256x1xi32>
      %lt3A_59 = arith.cmpi slt, %add3A_56, %lt3A_58 : vector<256x1xi32>
      %and3A_60 = arith.andi %ge3A_57, %lt3A_59 : vector<256x1xi1>
      %convert_element_type3A_61 = arith.extui %and3A_60 : vector<256x1xi1> to vector<256x1xi32>
      %convert_element_type3A_62 = arith.sitofp %convert_element_type3A_61 : vector<256x1xi32> to vector<256x1xf32>
      %get3A_63 = arith.constant 0 : index
      %get3A_64 = arith.constant 0 : index
      %get3A_65 = arith.constant 0 : index
      %get3A_66 = vector.load %arg4[%get3A_63, %get3A_64, %get3A_65] : memref<1x1x1024xf32, #tpu.memory_space<vmem>>, vector<1x1x1024xf32>
      %get3A_67 = vector.shape_cast %get3A_66 : vector<1x1x1024xf32> to vector<1x1024xf32>
      %mul3A_68 = vector.broadcast %broadcast_in_dim3A : vector<256x1xf32> to vector<256x1024xf32>
      %mul3A_69 = vector.broadcast %get3A_67 : vector<1x1024xf32> to vector<256x1024xf32>
      %mul3A_70 = arith.mulf %mul3A_68, %mul3A_69 : vector<256x1024xf32>
      %add3A_71 = arith.addf %add3A, %mul3A_70 : vector<256x1024xf32>
      %mul3A_72 = vector.broadcast %convert_element_type3A_62 : vector<256x1xf32> to vector<256x1024xf32>
      %mul3A_73 = arith.mulf %mul3A_72, %add3A_71 : vector<256x1024xf32>
      %convert_element_type3A_74 = arith.extui %or3A : i1 to i32
      %cond3A_75 = arith.constant 0 : i32
      %cond3A_76 = arith.cmpi ne, %convert_element_type3A_74, %cond3A_75 : i32
      scf.if %cond3A_76 {
        %swap3A = arith.constant 0 : index
        %swap3A_81 = arith.constant 0 : index
        %swap3A_82 = vector.load %arg5[%swap3A, %swap3A_81] : memref<256x1024xf32, #tpu.memory_space<vmem>>, vector<256x1024xf32>
        tpu.vector_store %arg5[%swap3A, %swap3A_81], %mul3A_73 {strides = array<i32>} : memref<256x1024xf32, #tpu.memory_space<vmem>>, vector<256x1024xf32>,
      } else {
      }
      %not3A = arith.constant true
      %not3A_77 = arith.xori %or3A, %not3A : i1
      %convert_element_type3A_78 = arith.extui %not3A_77 : i1 to i32
      %cond3A_79 = arith.constant 0 : i32
      %cond3A_80 = arith.cmpi ne, %convert_element_type3A_78, %cond3A_79 : i32
      scf.if %cond3A_80 {
        %get3A_81 = arith.constant 0 : index
        %get3A_82 = arith.constant 0 : index
        %get3A_83 = vector.load %arg5[%get3A_81, %get3A_82] : memref<256x1024xf32, #tpu.memory_space<vmem>>, vector<256x1024xf32>
        %add3A_84 = arith.addf %get3A_83, %mul3A_73 : vector<256x1024xf32>
        %swap3A = arith.constant 0 : index
        %swap3A_85 = arith.constant 0 : index
        %swap3A_86 = vector.load %arg5[%swap3A, %swap3A_85] : memref<256x1024xf32, #tpu.memory_space<vmem>>, vector<256x1024xf32>
        tpu.vector_store %arg5[%swap3A, %swap3A_85], %add3A_84 {strides = array<i32>} : memref<256x1024xf32, #tpu.memory_space<vmem>>, vector<256x1024xf32>,
      } else {
      }
    } else {
    }
    return
  }
  func.func @transform_0(%arg0: i32, %arg1: memref<4x23xi32, #tpu.memory_space<smem>>) -> (i32, i32) {
    %get3A = arith.constant 1 : index
    %get3A_0 = arith.index_cast %arg0 : i32 to index
    %get3A_1 = memref.load %arg1[%get3A, %get3A_0] : memref<4x23xi32, #tpu.memory_space<smem>>
    %c0_i32 = arith.constant 0 : i32
    %c0_i32_2 = arith.constant 0 : i32
    return %get3A_1, %c0_i32 : i32, i32
  }
  func.func @transform_1(%arg0: i32, %arg1: memref<4x23xi32, #tpu.memory_space<smem>>) -> (i32, i32, i32) {
    %get3A = arith.constant 0 : index
    %get3A_0 = arith.index_cast %arg0 : i32 to index
    %get3A_1 = memref.load %arg1[%get3A, %get3A_0] : memref<4x23xi32, #tpu.memory_space<smem>>
    %c0_i32 = arith.constant 0 : i32
    %c0_i32_2 = arith.constant 0 : i32
    %c0_i32_3 = arith.constant 0 : i32
    return %get3A_1, %c0_i32, %c0_i32_2 : i32, i32, i32
  }
  func.func @transform_2(%arg0: i32, %arg1: memref<4x23xi32, #tpu.memory_space<smem>>) -> (i32, i32, i32) {
    %get3A = arith.constant 0 : index
    %get3A_0 = arith.index_cast %arg0 : i32 to index
    %get3A_1 = memref.load %arg1[%get3A, %get3A_0] : memref<4x23xi32, #tpu.memory_space<smem>>
    %c0_i32 = arith.constant 0 : i32
    %c0_i32_2 = arith.constant 0 : i32
    %c0_i32_3 = arith.constant 0 : i32
    return %get3A_1, %c0_i32, %c0_i32_2 : i32, i32, i32
  }
  func.func @transform_3(%arg0: i32, %arg1: memref<4x23xi32, #tpu.memory_space<smem>>) -> (i32, i32) {
    %get3A = arith.constant 1 : index
    %get3A_0 = arith.index_cast %arg0 : i32 to index
    %get3A_1 = memref.load %arg1[%get3A, %get3A_0] : memref<4x23xi32, #tpu.memory_space<smem>>
    %c0_i32 = arith.constant 0 : i32
    %c0_i32_2 = arith.constant 0 : i32
    return %get3A_1, %c0_i32 : i32, i32
  }
}

</mosaic_0001>

<sc_bundles>
// kernel: kernel.6.cloned.1.call-start
scs
__scs_entry_jumppad:
0x0: {  	(pc) =	sbr.rel $0x88, $3  }
0x1: {  	(tag) =	ssettag $0x0;
	lr =	simm.s32 $0x1  }
0x2: {  	[smem:$0x3F9C] =	sst lr;
	_ =	strace $0xD0000000  }
0x3: {  	_ = 	snop  }
0x4: {  	_ = 	snop  }
0x5: {  	_ = 	snop  }
0x6: {  	_ = 	snop  }
0x7: {  	_ = 	snop  }
__scs_overlays_trampoline_lowered:
0x8: {  	[smem:$0x3FAB] =	sst s0  }
0x9: {  	[smem:$0x3FAC] =	sst s1  }
0xa: {  	[smem:$0x3FAD] =	sst s2  }
0xb: {  	[smem:$0x3FAE] =	sst s3  }
0xc: {  	[smem:$0x3FAF] =	sst s4  }
0xd: {  	[smem:$0x3FB0] =	sst s5  }
0xe: {  	[smem:$0x3FB1] =	sst s6  }
0xf: {  	[smem:$0x3FB2] =	sst s7  }
0x10: {  	[smem:$0x3FB3] =	sst s8  }
0x11: {  	[smem:$0x3FB4] =	sst s9;
	s0 =	simm.s32 @!p0 $0x0  }
0x12: {  	s1 =	sld [smem:$0x3F9A];
	s0 =	simm.s32 @p0 $0x1  }
0x13: {  	[smem:$0x3FB5] =	sst s0;
	s0 =	simm.s32 @!p1 $0x0  }
0x14: {  	s2 =	sld [smem:$0x3F99];
	s0 =	simm.s32 @p1 $0x1  }
0x15: {  	[smem:$0x3FB6] =	sst s0;
	s0 =	simm.s32 @!p2 $0x0  }
0x16: {  	s3 =	sld [smem:$0x3FDB];
	s0 =	simm.s32 @p2 $0x1  }
0x17: {  	s4 =	simm.s32 $0x1BF5;
	[smem:$0x3FB8] =	sst s0  }
0x18: {  	s0 =	sld [smem:$0x3F9B];
	_ =	swait.ge [sflag:s4], $0x0  }
0x19: {  	s7 =	sld [smem:$0x3F9C]  }
0x1a: {  	s8 =	sadd.s32 $0xFFFFE003, lr  }
0x1b: {  	s9 =	sadd.s32 $0xFFFFFEF7, lr;
	s5 =	simm.s32 $0xFFFFFFFF;
	p2 =	slt.u32 s8, $0xFFFFF086  }
0x1c: {  	p1 =	slt.u32 s9, $0xF7A;
	s5 =	simm.s32 @!p2 $0x0  }
0x1d: {  	s5 =	simm.s32 @p1 $0x1;
	p0 =	seq.s32 s7, s2  }
0x1e: {  	s7 =	smul.u32 @!p0 $0xF7A, s2;
	p2 =	seq.s32 @!p0 s5, $0x0  }
0x1f: {  	s9 =	smul.u32 $0xF7A, s1;
	s8 =	simm.s32 @!p0 $0x1BF5;
	p2 =	por !p2, p0  }
0x20: {  	[sflag:s8] =	ssyncset.s32 @!p0 $0xFFFFF086;
	s6 =	sadd.s32 @!p0 s3, s7;
	s7 =	simm.s32 @!p0 $0x108  }
0x21: {  	s3 =	sadd.s32 s3, s9;
	s6 =	sadd.s32 @!p0 $0x88, s6;
	s7 =	simm.s32 @p2 $0x1082  }
0x22: {  	[simem:s7], [sflag:s8] =	dma.local @!p0 [hbm:s6], $0xF7A  }
0x23: {  	s9 =	sor.u32 $0xD0000000, s2;
	s6 =	simm.s32 $0x108;
	_ =	swait.ge @!p0 [sflag:s8], $0x0  }
0x24: {  	s3 =	sadd.s32 $0x88, s3;
	s6 =	simm.s32 @!p1 $0x1082;
	[sflag:s4] =	ssyncset.s32 $0xFFFFF086  }
0x25: {  	[simem:s6], [sflag:s4] =	dma.local [hbm:s3], $0xF7A  }
0x26: {  	[smem:$0x3F9C] =	sst s1;
	(tag) =	ssettag s2;
	_ =	strace s9  }
0x27: {  	s1 =	sld [smem:$0x3FAC]  }
0x28: {  	s2 =	sld [smem:$0x3FAD]  }
0x29: {  	s4 =	sld [smem:$0x3FAF]  }
0x2a: {  	p0 =	seq.s32 s5, $0x0;
	s5 =	sld [smem:$0x3FB0]  }
0x2b: {  	s6 =	sld [smem:$0x3FB1]  }
0x2c: {  	s7 =	sld [smem:$0x3FB2]  }
0x2d: {  	s3 =	simm.s32 $0x108;
	s8 =	sld [smem:$0x3FB3]  }
0x2e: {  	s3 =	simm.s32 @!p0 $0x1082;
	s9 =	sld [smem:$0x3FB4]  }
0x2f: {  	lr =	sadd.s32 s0, s3;
	s0 =	sld [smem:$0x3FAB]  }
0x30: {  	s3 =	sld [smem:$0x3FAE]  }
0x31: {  	[smem:$0x3FB7] =	sst s10  }
0x32: {  	s10 =	sld [smem:$0x3FB5];
	_ =	sdelay $0x3  }
0x33: {  	p0 =	seq.s32 s10, $0x1;
	s10 =	sld [smem:$0x3FB7];
	_ =	sdelay $0x3  }
0x34: {  	[smem:$0x3FB7] =	sst s10  }
0x35: {  	s10 =	sld [smem:$0x3FB6];
	_ =	sdelay $0x3  }
0x36: {  	p1 =	seq.s32 s10, $0x1;
	s10 =	sld [smem:$0x3FB7];
	_ =	sdelay $0x3  }
0x37: {  	[smem:$0x3FB7] =	sst s10  }
0x38: {  	s10 =	sld [smem:$0x3FB8]  }
0x39: {  	_ = 	snop;
	(pc) =	sbr.ind lr, $3  }
0x3a: {  	_ = 	snop  }
0x3b: {  	_ = 	snop  }
0x3c: {  	p2 =	seq.s32 s10, $0x1;
	s10 =	sld [smem:$0x3FB7]  }
0x3d: {  	_ =	shalt  }
0x3e: {  	_ =	shalt  }
0x3f: {  	_ =	shalt  }
0x40: {  	_ =	shalt  }
0x41: {  	_ =	shalt  }
0x42: {  	_ =	shalt  }
0x43: {  	_ =	shalt  }
0x44: {  	_ =	shalt  }
0x45: {  	_ =	shalt  }
0x46: {  	_ =	shalt  }
0x47: {  	_ =	shalt  }
0x48: {  	_ =	shalt  }
0x49: {  	_ =	shalt  }
0x4a: {  	_ =	shalt  }
0x4b: {  	_ =	shalt  }
0x4c: {  	_ =	shalt  }
0x4d: {  	_ =	shalt  }
0x4e: {  	_ =	shalt  }
0x4f: {  	_ =	shalt  }
0x50: {  	_ =	shalt  }
0x51: {  	_ =	shalt  }
0x52: {  	_ =	shalt  }
0x53: {  	_ =	shalt  }
0x54: {  	_ =	shalt  }
0x55: {  	_ =	shalt  }
0x56: {  	_ =	shalt  }
0x57: {  	_ =	shalt  }
0x58: {  	_ =	shalt  }
0x59: {  	_ =	shalt  }
0x5a: {  	_ =	shalt  }
0x5b: {  	_ =	shalt  }
0x5c: {  	_ =	shalt  }
0x5d: {  	_ =	shalt  }
0x5e: {  	_ =	shalt  }
0x5f: {  	_ =	shalt  }
0x60: {  	_ =	shalt  }
0x61: {  	_ =	shalt  }
0x62: {  	_ =	shalt  }
0x63: {  	_ =	shalt  }
0x64: {  	_ =	shalt  }
0x65: {  	_ =	shalt  }
0x66: {  	_ =	shalt  }
0x67: {  	_ =	shalt  }
0x68: {  	_ =	shalt  }
0x69: {  	_ =	shalt  }
0x6a: {  	_ =	shalt  }
0x6b: {  	_ =	shalt  }
0x6c: {  	_ =	shalt  }
0x6d: {  	_ =	shalt  }
0x6e: {  	_ =	shalt  }
0x6f: {  	_ =	shalt  }
0x70: {  	_ =	shalt  }
0x71: {  	_ =	shalt  }
0x72: {  	_ =	shalt  }
0x73: {  	_ =	shalt  }
0x74: {  	_ =	shalt  }
0x75: {  	_ =	shalt  }
0x76: {  	_ =	shalt  }
0x77: {  	_ =	shalt  }
0x78: {  	_ =	shalt  }
0x79: {  	_ =	shalt  }
0x7a: {  	_ =	shalt  }
0x7b: {  	_ =	shalt  }
0x7c: {  	_ =	shalt  }
0x7d: {  	_ =	shalt  }
0x7e: {  	_ =	shalt  }
0x7f: {  	_ =	shalt  }
0x80: {  	_ =	shalt  }
0x81: {  	_ =	shalt  }
0x82: {  	_ =	shalt  }
0x83: {  	_ =	shalt  }
0x84: {  	_ =	shalt  }
0x85: {  	_ =	shalt  }
0x86: {  	_ =	shalt  }
0x87: {  	_ =	shalt  }
.Lfunc_end0:
.L_simem_size_0:
called_computation_lowered:
.L_overlay_start_0:
0x88: {  	s2 =	sld [smem:$0x3FD9]  }
0x89: {  	s3 =	sld [smem:$0x3FFE];
	_ =	sdelay $0x1  }
0x8a: {  	s1 =	srdreg.scid  }
0x8b: {  	s0 =	sand.u32 $0x1, s1  }
0x8c: {  	s17 =	sshll.u32 s0, $0xA;
	s2 =	sadd.s32 s3, s2  }
0x8d: {  	s2 =	sadd.s32 s2, s17  }
0x8e: {  	[smem:$0x3FC3] =	sst s2  }
0x8f: {  	_ = 	snop  }
0x90: {  	s2 =	sld [smem:$0x3FD0];
	(tm) =	ssettm $0x1  }
0x91: {  	s18 =	sld [smem:$0x3FFB];
	_ =	sdelay $0x3  }
0x92: {  	_ =	strace s18  }
0x93: {  	s3 =	sld [smem:$0x3FFC];
	_ =	sdelay $0x3  }
0x94: {  	_ =	strace s3  }
0x95: {  	s3 =	sld [smem:$0x3FFD];
	_ =	sdelay $0x3  }
0x96: {  	_ =	strace s3  }
0x97: {  	_ =	strace $0x8FFFFFFF  }
0x98: {  	s19 =	sld [smem:$0x3FDB];
	_ =	sdelay $0x1  }
0x99: {  	s4 =	simm.s32 $_scs_section_size  }
0x9a: {  	s5 =	simm.s32 $_size__tile_overlayer_lowered;
	s6 =	simm.s32 $_tile_overlayer_lowered  }
0x9b: {  	s22 =	simm.s32 $0x1BFF;
	s21 =	sshll.u32 s6, $0x1;
	s3 =	sadd.s32 s4, s19  }
0x9c: {  	s7 =	simm.s32 $0x0;
	s20 =	sshll.u32 s5, $0x1;
	s5 =	sadd.s32 s21, s3  }
0x9d: {  	[timem:s7], [sflag:s22] =	dma.local [hbm:s5], s20  }
0x9e: {  	_ =	swait.ge [sflag:s22], s20  }
0x9f: {  	s4 =	ssub.s32 $0x0, s20;
	[sflag:s22] =	ssyncset.done $0x0  }
0xa0: {  	[sflag:s22] =	ssyncadd.s32 s4;
	_ =	sdelay $0x1  }
0xa1: {  	s23 =	simm.s32 $0x1B8B  }
0xa2: {  	_ =	swait.ge [sflag:s23], $0x1  }
0xa3: {  	[sflag:s23] =	ssyncset.done $0x0  }
0xa4: {  	s25 =	simm.s32 $0x1B8E;
	s24 =	sld [smem:$0x3FFE];
	[sflag:s23] =	ssyncadd.s32 $0xFFFFFFFF  }
0xa5: {  	s26 =	simm.s32 $execute0_lowered;
	[smem:$0x3FD2] =	sst s25  }
0xa6: {  	s5 =	sshll.u32 s26, $0x1;
	_ =	strace $0x80000046;
	[dreg:$0x1] =	wrdreg $0xFFFFFFFF  }
0xa7: {  	s28 =	simm.s32 $_size_execute0_lowered;
	s3 =	sadd.s32 s3, s5;
	[dreg:$0x0] =	wrdreg $0x0  }
0xa8: {  	s5 =	sshll.u32 s28, $0x1;
	[dreg:$0x2] =	wrdreg s3  }
0xa9: {  	[dreg:$0x3] =	wrdreg s5  }
0xaa: {  	[dreg:$0x4] =	wrdreg $0xC0  }
0xab: {  	_ =	task [dreg:s7], $0x5FFFF  }
0xac: {  	[dreg:$0x1] =	wrdreg $0xFFFFFFFF  }
0xad: {  	[dreg:$0x0] =	wrdreg $0x60  }
0xae: {  	[dreg:$0x2] =	wrdreg s2  }
0xaf: {  	[dreg:$0x3] =	wrdreg s24  }
0xb0: {  	[dreg:$0x4] =	wrdreg $0x9  }
0xb1: {  	_ =	task.clear_ibuf [dreg:s7], $0x5FFFF;
	_ =	strace $0x90000046  }
0xb2: {  	s29 =	simm.s32 $0x9;
	_ =	strace $0x80000048  }
0xb3: {  	_ =	swait.ge [sflag:s29], $0x1  }
0xb4: {  	[sflag:s29] =	ssyncadd.s32 $0xFFFFFFFF  }
0xb5: {  	_ =	strace $0x90000048  }
0xb6: {  	_ =	sfence  }
0xb7: {  	s30 =	sld [smem:$0x0];
	_ =	sdelay $0x2  }
0xb8: {  	s31 =	sshll.u32 s1, $0xD;
	s1 =	sshrl.u32 s1, $0x2  }
0xb9: {  	s3 =	sand.u32 $0x4000, s31;
	s1 =	sadd.s32 s1, s30  }
0xba: {  	s0 =	sor.u32 s3, s0;
	s1 =	sshll.u32 s1, $0x11  }
0xbb: {  	s0 =	sor.u32 s1, s0  }
0xbc: {  	s0 =	sadd.s32 $0x8F2B, s0  }
0xbd: {  	[sflag:s0] =	ssyncadd.remote.s32 $0x1  }
0xbe: {  	_ =	sfence.sel $0xFFFF  }
0xbf: {  	[dreg:$0x0] =	wrdreg $0xFFFFFFFF;
	(pc) =	sbr.abs _section_cstart, $3  }
0xc0: {  	[dreg:$0x1] =	wrdreg $0xFFFFFFFF  }
0xc1: {  	_ =	task.clear_ibuf [dreg:s7], $0x2FFFF;
	_ =	strace $0x9FFFFFFF  }
0xc2: {  	(tm) =	ssettm $0x7FFFFFFF  }
0xc3: {  	_ =	shalt  }
tec
execute0_lowered:
.L_overlay_start_1:
0x0: {  	(tag) =	ssettag $0x1  }
0x1: {  	s1 =	srdreg.scid;
	s3 =	rddreg [dreg:$0x0]  }
0x2: {  	s2 =	simm.s32 $0x0;
	s4 =	sand.u32 $0x1, s1;
	s1 =	rddreg [dreg:$0x1]  }
0x3: {  	s19 =	simm.s32 $0x900;
	[smem:$0x7FF] =	sst s2  }
0x4: {  	s20 =	simm.s32 $0x1100;
	_ =	strace $0x80000047;
	[dreg:$0x7] =	wrdreg s19  }
0x5: {  	s21 =	simm.s32 $0x1500;
	[dreg:$0x8] =	wrdreg s20  }
0x6: {  	s22 =	simm.s32 $0x1D00;
	[dreg:$0x9] =	wrdreg s21  }
0x7: {  	s23 =	simm.s32 $0x2500;
	[dreg:$0xa] =	wrdreg s22  }
0x8: {  	s24 =	simm.s32 $0x2900;
	[dreg:$0xb] =	wrdreg s23  }
0x9: {  	s25 =	simm.s32 $0x3100;
	[dreg:$0xc] =	wrdreg s24  }
0xa: {  	s0 =	stileid.u32;
	s26 =	simm.s32 $0x3900;
	[dreg:$0xd] =	wrdreg s25  }
0xb: {  	s5 =	sshll.u32 s0, $0x5;
	s0 =	simm.s32 $0x3D00;
	[dreg:$0xe] =	wrdreg s26  }
0xc: {  	s9 =	simm.s32 $0x6100;
	s10 =	simm.s32 $0x6500;
	[dreg:$0xf] =	wrdreg s0  }
0xd: {  	s11 =	simm.s32 $0x6D00;
	s12 =	simm.s32 $0x7500;
	[dreg:$0x14] =	wrdreg s9  }
0xe: {  	s13 =	simm.s32 $0x7900;
	s14 =	simm.s32 $0x8100;
	[dreg:$0x15] =	wrdreg s10  }
0xf: {  	s15 =	simm.s32 $0x8900;
	s28 =	simm.s32 $0x12D00;
	[dreg:$0x16] =	wrdreg s11  }
0x10: {  	s29 =	simm.s32 $0x13500;
	s30 =	simm.s32 $0x13D00;
	[dreg:$0x17] =	wrdreg s12  }
0x11: {  	s31 =	simm.s32 $0x5;
	s6 =	sshll.u32 s4, $0x4;
	[dreg:$0x18] =	wrdreg s13  }
0x12: {  	s17 =	sadd.s32 $0x600, s1;
	s4 =	ssub.s32 $0x2, s4;
	[dreg:$0x19] =	wrdreg s14  }
0x13: {  	[dreg:$0x1a] =	wrdreg s15;
	s19 =	simm.s32 $0x9D00;
	s20 =	simm.s32 $0x80  }
0x14: {  	s21 =	simm.s32 $0xA900;
	s22 =	simm.s32 $0xB100;
	[dreg:$0x1d] =	wrdreg s19  }
0x15: {  	s23 =	simm.s32 $0xB500;
	s9 =	simm.s32 $0x3;
	[dreg:$0x1e] =	wrdreg s20  }
0x16: {  	s24 =	simm.s32 $0xBD00;
	s10 =	simm.s32 $0xA100;
	[dreg:$0x1f] =	wrdreg s21  }
0x17: {  	s25 =	simm.s32 $0xC500;
	s11 =	simm.s32 $0x2;
	[smem:$0x7F9] =	sst s22  }
0x18: {  	s26 =	simm.s32 $0xC900;
	s12 =	simm.s32 $0x4;
	[smem:$0x7FA] =	sst s23  }
0x19: {  	s15 =	simm.s32 $0xDD00;
	s5 =	sor.u32 s6, s5;
	[smem:$0x7FB] =	sst s24  }
0x1a: {  	s6 =	simm.s32 $0x4D00;
	s16 =	sshrl.u32 s4, $0x1;
	[smem:$0x7FC] =	sst s25  }
0x1b: {  	[smem:$0x7FD] =	sst s26;
	s19 =	simm.s32 $0xF900;
	s20 =	simm.s32 $0x10100  }
0x1c: {  	s21 =	simm.s32 $0x10500;
	s22 =	simm.s32 $0x10D00;
	s23 =	simm.s32 $0x11500  }
0x1d: {  	s24 =	simm.s32 $0x11900;
	s25 =	simm.s32 $0x12100;
	s7 =	smul.u32 $0x280, s5  }
0x1e: {  	s8 =	sadd.s32 s17, s5;
	s5 =	sor.u32 $0x8, s5;
	[dreg:$0x11] =	wrdreg s6  }
0x1f: {  	[dreg:$0x3] =	wrdreg s8;
	s18 =	smul.u32 $0x280, s5;
	s5 =	sadd.s32 s17, s5  }
0x20: {  	s26 =	simm.s32 $0x12900;
	s8 =	simm.s32 $0x5900;
	[dreg:$0x5] =	wrdreg s5  }
0x21: {  	s6 =	ssub.s32 s4, s16;
	s17 =	simm.s32 $0x8D00;
	[dreg:$0x13] =	wrdreg s8  }
0x22: {  	s4 =	sadd.s32 $0x900, s1;
	s7 =	sadd.s32 s3, s7;
	[dreg:$0x1b] =	wrdreg s17  }
0x23: {  	s16 =	simm.s32 $0xE500;
	s5 =	simm.s32 $0x4500;
	[dreg:$0x4] =	wrdreg s7  }
0x24: {  	s6 =	smax.u32 s6, $0x1;
	s3 =	sadd.s32 s3, s18;
	[dreg:$0x10] =	wrdreg s5  }
0x25: {  	s8 =	simm.s32 $0x1;
	s7 =	simm.s32 $0x5100;
	[dreg:$0x6] =	wrdreg s3  }
0x26: {  	v2 =	vlaneseq.u32;
	s17 =	simm.s32 $0xED00;
	s18 =	simm.s32 $0x9500;
	[dreg:$0x12] =	wrdreg s7  }
0x27: {  	vm0 =	vmmov $0xffff;
	vm1 =	vmmov $0xff;
	v1 =	vshrl.u32 v2, $0x3;
	s5 =	sadd.s32 $0xA00, s1;
	s3 =	sadd.s32 $0x800, s1;
	[dreg:$0x1c] =	wrdreg s18  }
0x28: {  	v0 =	vand.u32 $0x7, v2;
	v2 =	vor.u32 $0x8, v2;
	v1 =	vmul.u32 $0x8, v1;
	s7 =	simm.s32 $0x100;
	s18 =	simm.s32 $0xF100;
	s1 =	simm.s32 $0x6  }
.LBB2_1:
0x29: {  	s0 =	rddreg [dreg:$0x3]  }
0x2a: {  	[tilespmem:s2], [sflag:$0x1] =	stream.linear.gather [hbm4b:s0+s2], $0x40, $0x38;
	[tilespmem:$0x14100] =	vst v63  }
0x2b: {  	s13 =	rddreg [dreg:$0x4]  }
0x2c: {  	[tilespmem:s7], [sflag:$0x3] =	stream.linear.gather [hbm4b:s13+s2], $0xA000, $0x38;
	[tilespmem:$0x14100] =	vst v63  }
0x2d: {  	_ =	swait.ge [sflag:s8], $0x40  }
0x2e: {  	[sflag:s8] =	ssyncset.done $0x0  }
0x2f: {  	[sflag:s8] =	ssyncadd.s32 $0xFFFFFFC0  }
0x30: {  	_ =	swait.ge [sflag:s9], $0xA000  }
0x31: {  	[sflag:s9] =	ssyncset.done $0x0  }
0x32: {  	[sflag:s9] =	ssyncadd.s32 $0xFFFF6000  }
0x33: {  	v3 =	vld [tilespmem:$0x0];
	_ =	sdelay $0x4  }
0x34: {  	v4 =	vshrl.u32 v3, $0x3  }
0x35: {  	v4 =	vmul.u32 $0x28, v4  }
0x36: {  	v3 =	vand.u32 $0x7, v3  }
0x37: {  	v3 =	vor.u32 v3, v4  }
0x38: {  	v4 =	vperm.xlane v3, v0;
	_ =	sdelay $0x1  }
0x39: {  	v4 =	vadd.s32 v1, v4;
	_ =	sdelay $0x3  }
0x3a: {  	v3 =	vperm.xlane v3, v2  }
0x3b: {  	[hbm4b:s3+s2] =	stream.indirect_vreg.scatter [tilespmem:s7], [sflag:$0x5], $0x80, v4, vm0, $0xb8;
	[tilespmem:$0x14100] =	vst v63  }
0x3c: {  	s14 =	rddreg [dreg:$0x7];
	v3 =	vadd.s32 v1, v3  }
0x3d: {  	[hbm4b:s4+s2] =	stream.indirect_vreg.scatter [tilespmem:s14], [sflag:$0x5], $0x80, v4, vm0, $0xb8;
	[tilespmem:$0x14100] =	vst v63  }
0x3e: {  	s13 =	rddreg [dreg:$0x8]  }
0x3f: {  	[hbm4b:s5+s2] =	stream.indirect_vreg.scatter [tilespmem:s13], [sflag:$0x5], $0x80, v4, vm1, $0xb8;
	[tilespmem:$0x14100] =	vst v63  }
0x40: {  	s14 =	rddreg [dreg:$0x9]  }
0x41: {  	[hbm4b:s3+s2] =	stream.indirect_vreg.scatter [tilespmem:s14], [sflag:$0x5], $0x80, v3, vm0, $0xb8;
	[tilespmem:$0x14100] =	vst v63  }
0x42: {  	s13 =	rddreg [dreg:$0xa]  }
0x43: {  	[hbm4b:s4+s2] =	stream.indirect_vreg.scatter [tilespmem:s13], [sflag:$0x5], $0x80, v3, vm0, $0xb8;
	[tilespmem:$0x14100] =	vst v63  }
0x44: {  	s14 =	rddreg [dreg:$0xb]  }
0x45: {  	[hbm4b:s5+s2] =	stream.indirect_vreg.scatter [tilespmem:s14], [sflag:$0x5], $0x80, v3, vm1, $0xb8;
	[tilespmem:$0x14100] =	vst v63  }
0x46: {  	v3 =	vld [tilespmem:$0x10];
	_ =	sdelay $0x4  }
0x47: {  	v57 =	vshrl.u32 v3, $0x3  }
0x48: {  	v4 =	vmul.u32 $0x28, v57  }
0x49: {  	v3 =	vand.u32 $0x7, v3  }
0x4a: {  	v3 =	vor.u32 v3, v4  }
0x4b: {  	v4 =	vperm.xlane v3, v0;
	_ =	sdelay $0x1  }
0x4c: {  	v4 =	vadd.s32 v1, v4;
	_ =	sdelay $0x3  }
0x4d: {  	s13 =	rddreg [dreg:$0xc];
	v3 =	vperm.xlane v3, v2  }
0x4e: {  	[hbm4b:s3+s2] =	stream.indirect_vreg.scatter [tilespmem:s13], [sflag:$0x5], $0x80, v4, vm0, $0xb8;
	[tilespmem:$0x14100] =	vst v63  }
0x4f: {  	s14 =	rddreg [dreg:$0xd];
	v3 =	vadd.s32 v1, v3  }
0x50: {  	[hbm4b:s4+s2] =	stream.indirect_vreg.scatter [tilespmem:s14], [sflag:$0x5], $0x80, v4, vm0, $0xb8;
	[tilespmem:$0x14100] =	vst v63  }
0x51: {  	s0 =	rddreg [dreg:$0xe]  }
0x52: {  	[hbm4b:s5+s2] =	stream.indirect_vreg.scatter [tilespmem:s0], [sflag:$0x5], $0x80, v4, vm1, $0xb8;
	[tilespmem:$0x14100] =	vst v63  }
0x53: {  	s14 =	rddreg [dreg:$0xf]  }
0x54: {  	[hbm4b:s3+s2] =	stream.indirect_vreg.scatter [tilespmem:s14], [sflag:$0x5], $0x80, v3, vm0, $0xb8;
	[tilespmem:$0x14100] =	vst v63  }
0x55: {  	s0 =	rddreg [dreg:$0x10]  }
0x56: {  	[hbm4b:s4+s2] =	stream.indirect_vreg.scatter [tilespmem:s0], [sflag:$0x5], $0x80, v3, vm0, $0xb8;
	[tilespmem:$0x14100] =	vst v63  }
0x57: {  	s14 =	rddreg [dreg:$0x11]  }
0x58: {  	[hbm4b:s5+s2] =	stream.indirect_vreg.scatter [tilespmem:s14], [sflag:$0x5], $0x80, v3, vm1, $0xb8;
	[tilespmem:$0x14100] =	vst v63  }
0x59: {  	v3 =	vld [tilespmem:$0x20];
	_ =	sdelay $0x4  }
0x5a: {  	v58 =	vshrl.u32 v3, $0x3  }
0x5b: {  	v4 =	vmul.u32 $0x28, v58  }
0x5c: {  	v3 =	vand.u32 $0x7, v3  }
0x5d: {  	v3 =	vor.u32 v3, v4  }
0x5e: {  	v4 =	vperm.xlane v3, v0;
	_ =	sdelay $0x1  }
0x5f: {  	v4 =	vadd.s32 v1, v4;
	_ =	sdelay $0x3  }
0x60: {  	s13 =	rddreg [dreg:$0x12];
	v3 =	vperm.xlane v3, v2  }
0x61: {  	[hbm4b:s3+s2] =	stream.indirect_vreg.scatter [tilespmem:s13], [sflag:$0x5], $0x80, v4, vm0, $0xb8;
	[tilespmem:$0x14100] =	vst v63  }
0x62: {  	s14 =	rddreg [dreg:$0x13];
	v3 =	vadd.s32 v1, v3  }
0x63: {  	[hbm4b:s4+s2] =	stream.indirect_vreg.scatter [tilespmem:s14], [sflag:$0x5], $0x80, v4, vm0, $0xb8;
	[tilespmem:$0x14100] =	vst v63  }
0x64: {  	s0 =	rddreg [dreg:$0x14]  }
0x65: {  	[hbm4b:s5+s2] =	stream.indirect_vreg.scatter [tilespmem:s0], [sflag:$0x5], $0x80, v4, vm1, $0xb8;
	[tilespmem:$0x14100] =	vst v63  }
0x66: {  	s14 =	rddreg [dreg:$0x15]  }
0x67: {  	[hbm4b:s3+s2] =	stream.indirect_vreg.scatter [tilespmem:s14], [sflag:$0x5], $0x80, v3, vm0, $0xb8;
	[tilespmem:$0x14100] =	vst v63  }
0x68: {  	s0 =	rddreg [dreg:$0x16]  }
0x69: {  	[hbm4b:s4+s2] =	stream.indirect_vreg.scatter [tilespmem:s0], [sflag:$0x5], $0x80, v3, vm0, $0xb8;
	[tilespmem:$0x14100] =	vst v63  }
0x6a: {  	s14 =	rddreg [dreg:$0x17]  }
0x6b: {  	[hbm4b:s5+s2] =	stream.indirect_vreg.scatter [tilespmem:s14], [sflag:$0x5], $0x80, v3, vm1, $0xb8;
	[tilespmem:$0x14100] =	vst v63  }
0x6c: {  	v3 =	vld [tilespmem:$0x30];
	_ =	sdelay $0x4  }
0x6d: {  	v59 =	vshrl.u32 v3, $0x3  }
0x6e: {  	v4 =	vmul.u32 $0x28, v59  }
0x6f: {  	v3 =	vand.u32 $0x7, v3  }
0x70: {  	v3 =	vor.u32 v3, v4  }
0x71: {  	v4 =	vperm.xlane v3, v0;
	_ =	sdelay $0x1  }
0x72: {  	v4 =	vadd.s32 v1, v4;
	_ =	sdelay $0x2  }
0x73: {  	s13 =	rddreg [dreg:$0x19]  }
0x74: {  	s14 =	rddreg [dreg:$0x18];
	v3 =	vperm.xlane v3, v2  }
0x75: {  	[hbm4b:s3+s2] =	stream.indirect_vreg.scatter [tilespmem:s14], [sflag:$0x5], $0x80, v4, vm0, $0xb8;
	[tilespmem:$0x14100] =	vst v63  }
0x76: {  	s0 =	rddreg [dreg:$0x1d];
	v3 =	vadd.s32 v1, v3  }
0x77: {  	[hbm4b:s4+s2] =	stream.indirect_vreg.scatter [tilespmem:s13], [sflag:$0x5], $0x80, v4, vm0, $0xb8;
	[tilespmem:$0x14100] =	vst v63  }
0x78: {  	s14 =	rddreg [dreg:$0x1a]  }
0x79: {  	[hbm4b:s5+s2] =	stream.indirect_vreg.scatter [tilespmem:s14], [sflag:$0x5], $0x80, v4, vm1, $0xb8;
	[tilespmem:$0x14100] =	vst v63  }
0x7a: {  	s13 =	rddreg [dreg:$0x1b]  }
0x7b: {  	[hbm4b:s3+s2] =	stream.indirect_vreg.scatter [tilespmem:s13], [sflag:$0x5], $0x80, v3, vm0, $0xb8;
	[tilespmem:$0x14100] =	vst v63  }
0x7c: {  	s14 =	rddreg [dreg:$0x1c]  }
0x7d: {  	[hbm4b:s4+s2] =	stream.indirect_vreg.scatter [tilespmem:s14], [sflag:$0x5], $0x80, v3, vm0, $0xb8;
	[tilespmem:$0x14100] =	vst v63  }
0x7e: {  	s13 =	rddreg [dreg:$0x5]  }
0x7f: {  	[hbm4b:s5+s2] =	stream.indirect_vreg.scatter [tilespmem:s0], [sflag:$0x5], $0x80, v3, vm1, $0xb8;
	[tilespmem:$0x14100] =	vst v63  }
0x80: {  	s14 =	rddreg [dreg:$0x1e]  }
0x81: {  	[tilespmem:s14], [sflag:$0x2] =	stream.linear.gather [hbm4b:s13+s2], $0x40, $0x38;
	[tilespmem:$0x14100] =	vst v63  }
0x82: {  	s0 =	rddreg [dreg:$0x6]  }
0x83: {  	[tilespmem:s10], [sflag:$0x4] =	stream.linear.gather [hbm4b:s0+s2], $0xA000, $0x38;
	[tilespmem:$0x14100] =	vst v63  }
0x84: {  	_ =	swait.ge [sflag:s11], $0x40  }
0x85: {  	[sflag:s11] =	ssyncset.done $0x0  }
0x86: {  	[sflag:s11] =	ssyncadd.s32 $0xFFFFFFC0  }
0x87: {  	_ =	swait.ge [sflag:s12], $0xA000  }
0x88: {  	[sflag:s12] =	ssyncset.done $0x0  }
0x89: {  	[sflag:s12] =	ssyncadd.s32 $0xFFFF6000  }
0x8a: {  	v3 =	vld [tilespmem:$0x80];
	_ =	sdelay $0x4  }
0x8b: {  	v60 =	vshrl.u32 v3, $0x3  }
0x8c: {  	v4 =	vmul.u32 $0x28, v60  }
0x8d: {  	v3 =	vand.u32 $0x7, v3  }
0x8e: {  	v3 =	vor.u32 v3, v4  }
0x8f: {  	v4 =	vperm.xlane v3, v0;
	_ =	sdelay $0x1  }
0x90: {  	v4 =	vadd.s32 v1, v4;
	_ =	sdelay $0x3  }
0x91: {  	s14 =	rddreg [dreg:$0x1f];
	v3 =	vperm.xlane v3, v2  }
0x92: {  	[hbm4b:s3+s2] =	stream.indirect_vreg.scatter [tilespmem:s10], [sflag:$0x6], $0x80, v4, vm0, $0xb8;
	[tilespmem:$0x14100] =	vst v63  }
0x93: {  	s13 =	sld [smem:$0x7F9];
	v3 =	vadd.s32 v1, v3  }
0x94: {  	[hbm4b:s4+s2] =	stream.indirect_vreg.scatter [tilespmem:s14], [sflag:$0x6], $0x80, v4, vm0, $0xb8;
	[tilespmem:$0x14100] =	vst v63  }
0x95: {  	s14 =	sld [smem:$0x7FA]  }
0x96: {  	[hbm4b:s5+s2] =	stream.indirect_vreg.scatter [tilespmem:s13], [sflag:$0x6], $0x80, v4, vm1, $0xb8;
	[tilespmem:$0x14100] =	vst v63  }
0x97: {  	s13 =	sld [smem:$0x7FB]  }
0x98: {  	[hbm4b:s3+s2] =	stream.indirect_vreg.scatter [tilespmem:s14], [sflag:$0x6], $0x80, v3, vm0, $0xb8;
	[tilespmem:$0x14100] =	vst v63  }
0x99: {  	s14 =	sld [smem:$0x7FC]  }
0x9a: {  	[hbm4b:s4+s2] =	stream.indirect_vreg.scatter [tilespmem:s13], [sflag:$0x6], $0x80, v3, vm0, $0xb8;
	[tilespmem:$0x14100] =	vst v63  }
0x9b: {  	_ = 	snop  }
0x9c: {  	[hbm4b:s5+s2] =	stream.indirect_vreg.scatter [tilespmem:s14], [sflag:$0x6], $0x80, v3, vm1, $0xb8;
	[tilespmem:$0x14100] =	vst v63  }
0x9d: {  	v3 =	vld [tilespmem:$0x90];
	_ =	sdelay $0x4  }
0x9e: {  	v61 =	vshrl.u32 v3, $0x3  }
0x9f: {  	v4 =	vmul.u32 $0x28, v61  }
0xa0: {  	v3 =	vand.u32 $0x7, v3  }
0xa1: {  	v3 =	vor.u32 v3, v4  }
0xa2: {  	v4 =	vperm.xlane v3, v0;
	_ =	sdelay $0x1  }
0xa3: {  	v4 =	vadd.s32 v1, v4;
	_ =	sdelay $0x1  }
0xa4: {  	s14 =	sld [smem:$0x7FD];
	_ =	sdelay $0x1  }
0xa5: {  	v3 =	vperm.xlane v3, v2  }
0xa6: {  	[hbm4b:s3+s2] =	stream.indirect_vreg.scatter [tilespmem:s14], [sflag:$0x6], $0x80, v4, vm0, $0xb8;
	[tilespmem:$0x14100] =	vst v63  }
0xa7: {  	s13 =	simm.s32 $0xD100;
	v3 =	vadd.s32 v1, v3  }
0xa8: {  	[hbm4b:s4+s2] =	stream.indirect_vreg.scatter [tilespmem:s13], [sflag:$0x6], $0x80, v4, vm0, $0xb8;
	[tilespmem:$0x14100] =	vst v63  }
0xa9: {  	s14 =	simm.s32 $0xD900  }
0xaa: {  	[hbm4b:s5+s2] =	stream.indirect_vreg.scatter [tilespmem:s14], [sflag:$0x6], $0x80, v4, vm1, $0xb8;
	[tilespmem:$0x14100] =	vst v63  }
0xab: {  	_ = 	snop  }
0xac: {  	[hbm4b:s3+s2] =	stream.indirect_vreg.scatter [tilespmem:s15], [sflag:$0x6], $0x80, v3, vm0, $0xb8;
	[tilespmem:$0x14100] =	vst v63  }
0xad: {  	_ = 	snop  }
0xae: {  	[hbm4b:s4+s2] =	stream.indirect_vreg.scatter [tilespmem:s16], [sflag:$0x6], $0x80, v3, vm0, $0xb8;
	[tilespmem:$0x14100] =	vst v63  }
0xaf: {  	_ = 	snop  }
0xb0: {  	[hbm4b:s5+s2] =	stream.indirect_vreg.scatter [tilespmem:s17], [sflag:$0x6], $0x80, v3, vm1, $0xb8;
	[tilespmem:$0x14100] =	vst v63  }
0xb1: {  	v3 =	vld [tilespmem:$0xA0];
	_ =	sdelay $0x4  }
0xb2: {  	v62 =	vshrl.u32 v3, $0x3  }
0xb3: {  	v4 =	vmul.u32 $0x28, v62  }
0xb4: {  	v3 =	vand.u32 $0x7, v3  }
0xb5: {  	v3 =	vor.u32 v3, v4  }
0xb6: {  	v4 =	vperm.xlane v3, v0;
	_ =	sdelay $0x1  }
0xb7: {  	v4 =	vadd.s32 v1, v4;
	_ =	sdelay $0x3  }
0xb8: {  	v3 =	vperm.xlane v3, v2  }
0xb9: {  	[hbm4b:s3+s2] =	stream.indirect_vreg.scatter [tilespmem:s18], [sflag:$0x6], $0x80, v4, vm0, $0xb8;
	[tilespmem:$0x14100] =	vst v63  }
0xba: {  	v3 =	vadd.s32 v1, v3  }
0xbb: {  	[hbm4b:s4+s2] =	stream.indirect_vreg.scatter [tilespmem:s19], [sflag:$0x6], $0x80, v4, vm0, $0xb8;
	[tilespmem:$0x14100] =	vst v63  }
0xbc: {  	_ = 	snop  }
0xbd: {  	[hbm4b:s5+s2] =	stream.indirect_vreg.scatter [tilespmem:s20], [sflag:$0x6], $0x80, v4, vm1, $0xb8;
	[tilespmem:$0x14100] =	vst v63  }
0xbe: {  	_ = 	snop  }
0xbf: {  	[hbm4b:s3+s2] =	stream.indirect_vreg.scatter [tilespmem:s21], [sflag:$0x6], $0x80, v3, vm0, $0xb8;
	[tilespmem:$0x14100] =	vst v63  }
0xc0: {  	_ = 	snop  }
0xc1: {  	[hbm4b:s4+s2] =	stream.indirect_vreg.scatter [tilespmem:s22], [sflag:$0x6], $0x80, v3, vm0, $0xb8;
	[tilespmem:$0x14100] =	vst v63  }
0xc2: {  	_ = 	snop  }
0xc3: {  	[hbm4b:s5+s2] =	stream.indirect_vreg.scatter [tilespmem:s23], [sflag:$0x6], $0x80, v3, vm1, $0xb8;
	[tilespmem:$0x14100] =	vst v63  }
0xc4: {  	v3 =	vld [tilespmem:$0xB0];
	_ =	sdelay $0x4  }
0xc5: {  	v63 =	vshrl.u32 v3, $0x3  }
0xc6: {  	v4 =	vmul.u32 $0x28, v63  }
0xc7: {  	v3 =	vand.u32 $0x7, v3  }
0xc8: {  	v3 =	vor.u32 v3, v4  }
0xc9: {  	v4 =	vperm.xlane v3, v0;
	_ =	sdelay $0x1  }
0xca: {  	v4 =	vadd.s32 v1, v4;
	_ =	sdelay $0x3  }
0xcb: {  	v3 =	vperm.xlane v3, v2  }
0xcc: {  	[hbm4b:s3+s2] =	stream.indirect_vreg.scatter [tilespmem:s24], [sflag:$0x6], $0x80, v4, vm0, $0xb8;
	[tilespmem:$0x14100] =	vst v63  }
0xcd: {  	v3 =	vadd.s32 v1, v3  }
0xce: {  	[hbm4b:s4+s2] =	stream.indirect_vreg.scatter [tilespmem:s25], [sflag:$0x6], $0x80, v4, vm0, $0xb8;
	[tilespmem:$0x14100] =	vst v63  }
0xcf: {  	_ = 	snop  }
0xd0: {  	[hbm4b:s5+s2] =	stream.indirect_vreg.scatter [tilespmem:s26], [sflag:$0x6], $0x80, v4, vm1, $0xb8;
	[tilespmem:$0x14100] =	vst v63  }
0xd1: {  	_ = 	snop  }
0xd2: {  	[hbm4b:s3+s2] =	stream.indirect_vreg.scatter [tilespmem:s28], [sflag:$0x6], $0x80, v3, vm0, $0xb8;
	[tilespmem:$0x14100] =	vst v63  }
0xd3: {  	_ = 	snop  }
0xd4: {  	[hbm4b:s4+s2] =	stream.indirect_vreg.scatter [tilespmem:s29], [sflag:$0x6], $0x80, v3, vm0, $0xb8;
	[tilespmem:$0x14100] =	vst v63  }
0xd5: {  	_ = 	snop  }
0xd6: {  	[hbm4b:s5+s2] =	stream.indirect_vreg.scatter [tilespmem:s30], [sflag:$0x6], $0x80, v3, vm1, $0xb8;
	[tilespmem:$0x14100] =	vst v63  }
0xd7: {  	p0 =	sne.s32 s6, $0x1;
	_ =	swait.ge [sflag:s31], $0xA000  }
.Ltmp0:
0xd8: {  	[sflag:s31] =	ssyncset.done $0x0;
	(pc) =	sbr.rel @p0 .LBB2_1-.Ltmp0, $4  }
0xd9: {  	[sflag:s31] =	ssyncadd.s32 $0xFFFF6000  }
0xda: {  	_ =	swait.ge [sflag:s1], $0xA000  }
0xdb: {  	[sflag:s1] =	ssyncset.done $0x0  }
0xdc: {  	s6 =	sadd.s32 $0xFFFFFFFF, s6;
	[sflag:s1] =	ssyncadd.s32 $0xFFFF6000  }
0xdd: {  	_ =	sfence.sel $0x180000  }
0xde: {  	[bflag:$0x0] =	sbarrier.arrive $0xFFFF  }
0xdf: {  	_ =	strace $0x90000047  }
0xe0: {  	s0 =	stileid.u32;
	[bflag:$0x2] =	sbarrier.arrive $0xFFFF  }
0xe1: {  	p0 =	sne.s32 s0, $0x0;
	s0 =	rddreg [dreg:$0x2]  }
0xe2: {  	s0 =	sadd.s32 @!p0 $0x100000, s0  }
0xe3: {  	[sflag:s0] =	ssyncadd.tile.s32 @!p0 $0x1;
	_ =	shalt  }
.Lfunc_end2:
_tile_overlayer_lowered:
.L_overlay_start_2:
0xe4: {  	(tag) =	ssettag $0x2  }
0xe5: {  	s0 =	rddreg [dreg:$0x0];
	s2 =	stileid.u32  }
0xe6: {  	s1 =	rddreg [dreg:$0x1];
	p0 =	sne.s32 s2, $0x0  }
0xe7: {  	s3 =	rddreg [dreg:$0x2];
	[bflag:$0x3] =	sbarrier.arrive $0xFFFF;
	s2 =	simm.s32 @!p0 $0x1C07  }
0xe8: {  	[timem:s3], [sflag:s2] =	dma.local @!p0 [hbm:s0], s1  }
0xe9: {  	s0 =	simm.s32 @!p0 $0x7  }
0xea: {  	_ =	swait.ge @!p0 [sflag:s0], s1  }
0xeb: {  	s1 =	ssub.s32 @!p0 $0x0, s1;
	[sflag:s0] =	ssyncset.done @!p0 $0x0  }
0xec: {  	[sflag:s0] =	ssyncadd.s32 @!p0 s1  }
0xed: {  	[bflag:$0x3] =	sbarrier.arrive $0xFFFF  }
0xee: {  	_ =	shalt  }

// kernel: kernel.9.cloned.1.call-start
scs
__scs_entry_jumppad:
0x0: {  	(pc) =	sbr.rel $0x88, $3  }
0x1: {  	(tag) =	ssettag $0x0;
	lr =	simm.s32 $0x1  }
0x2: {  	[smem:$0x3F9C] =	sst lr;
	_ =	strace $0xD0000000  }
0x3: {  	_ = 	snop  }
0x4: {  	_ = 	snop  }
0x5: {  	_ = 	snop  }
0x6: {  	_ = 	snop  }
0x7: {  	_ = 	snop  }
__scs_overlays_trampoline_lowered:
0x8: {  	[smem:$0x3FAB] =	sst s0  }
0x9: {  	[smem:$0x3FAC] =	sst s1  }
0xa: {  	[smem:$0x3FAD] =	sst s2  }
0xb: {  	[smem:$0x3FAE] =	sst s3  }
0xc: {  	[smem:$0x3FAF] =	sst s4  }
0xd: {  	[smem:$0x3FB0] =	sst s5  }
0xe: {  	[smem:$0x3FB1] =	sst s6  }
0xf: {  	[smem:$0x3FB2] =	sst s7  }
0x10: {  	[smem:$0x3FB3] =	sst s8  }
0x11: {  	[smem:$0x3FB4] =	sst s9;
	s0 =	simm.s32 @!p0 $0x0  }
0x12: {  	s1 =	sld [smem:$0x3F9A];
	s0 =	simm.s32 @p0 $0x1  }
0x13: {  	[smem:$0x3FB5] =	sst s0;
	s0 =	simm.s32 @!p1 $0x0  }
0x14: {  	s2 =	sld [smem:$0x3F99];
	s0 =	simm.s32 @p1 $0x1  }
0x15: {  	[smem:$0x3FB6] =	sst s0;
	s0 =	simm.s32 @!p2 $0x0  }
0x16: {  	s3 =	sld [smem:$0x3FDB];
	s0 =	simm.s32 @p2 $0x1  }
0x17: {  	s4 =	simm.s32 $0x1BF5;
	[smem:$0x3FB8] =	sst s0  }
0x18: {  	s0 =	sld [smem:$0x3F9B];
	_ =	swait.ge [sflag:s4], $0x0  }
0x19: {  	s7 =	sld [smem:$0x3F9C]  }
0x1a: {  	s8 =	sadd.s32 $0xFFFFE003, lr  }
0x1b: {  	s9 =	sadd.s32 $0xFFFFFEF7, lr;
	s5 =	simm.s32 $0xFFFFFFFF;
	p2 =	slt.u32 s8, $0xFFFFF086  }
0x1c: {  	p1 =	slt.u32 s9, $0xF7A;
	s5 =	simm.s32 @!p2 $0x0  }
0x1d: {  	s5 =	simm.s32 @p1 $0x1;
	p0 =	seq.s32 s7, s2  }
0x1e: {  	s7 =	smul.u32 @!p0 $0xF7A, s2;
	p2 =	seq.s32 @!p0 s5, $0x0  }
0x1f: {  	s9 =	smul.u32 $0xF7A, s1;
	s8 =	simm.s32 @!p0 $0x1BF5;
	p2 =	por !p2, p0  }
0x20: {  	[sflag:s8] =	ssyncset.s32 @!p0 $0xFFFFF086;
	s6 =	sadd.s32 @!p0 s3, s7;
	s7 =	simm.s32 @!p0 $0x108  }
0x21: {  	s3 =	sadd.s32 s3, s9;
	s6 =	sadd.s32 @!p0 $0x88, s6;
	s7 =	simm.s32 @p2 $0x1082  }
0x22: {  	[simem:s7], [sflag:s8] =	dma.local @!p0 [hbm:s6], $0xF7A  }
0x23: {  	s9 =	sor.u32 $0xD0000000, s2;
	s6 =	simm.s32 $0x108;
	_ =	swait.ge @!p0 [sflag:s8], $0x0  }
0x24: {  	s3 =	sadd.s32 $0x88, s3;
	s6 =	simm.s32 @!p1 $0x1082;
	[sflag:s4] =	ssyncset.s32 $0xFFFFF086  }
0x25: {  	[simem:s6], [sflag:s4] =	dma.local [hbm:s3], $0xF7A  }
0x26: {  	[smem:$0x3F9C] =	sst s1;
	(tag) =	ssettag s2;
	_ =	strace s9  }
0x27: {  	s1 =	sld [smem:$0x3FAC]  }
0x28: {  	s2 =	sld [smem:$0x3FAD]  }
0x29: {  	s4 =	sld [smem:$0x3FAF]  }
0x2a: {  	p0 =	seq.s32 s5, $0x0;
	s5 =	sld [smem:$0x3FB0]  }
0x2b: {  	s6 =	sld [smem:$0x3FB1]  }
0x2c: {  	s7 =	sld [smem:$0x3FB2]  }
0x2d: {  	s3 =	simm.s32 $0x108;
	s8 =	sld [smem:$0x3FB3]  }
0x2e: {  	s3 =	simm.s32 @!p0 $0x1082;
	s9 =	sld [smem:$0x3FB4]  }
0x2f: {  	lr =	sadd.s32 s0, s3;
	s0 =	sld [smem:$0x3FAB]  }
0x30: {  	s3 =	sld [smem:$0x3FAE]  }
0x31: {  	[smem:$0x3FB7] =	sst s10  }
0x32: {  	s10 =	sld [smem:$0x3FB5];
	_ =	sdelay $0x3  }
0x33: {  	p0 =	seq.s32 s10, $0x1;
	s10 =	sld [smem:$0x3FB7];
	_ =	sdelay $0x3  }
0x34: {  	[smem:$0x3FB7] =	sst s10  }
0x35: {  	s10 =	sld [smem:$0x3FB6];
	_ =	sdelay $0x3  }
0x36: {  	p1 =	seq.s32 s10, $0x1;
	s10 =	sld [smem:$0x3FB7];
	_ =	sdelay $0x3  }
0x37: {  	[smem:$0x3FB7] =	sst s10  }
0x38: {  	s10 =	sld [smem:$0x3FB8]  }
0x39: {  	_ = 	snop;
	(pc) =	sbr.ind lr, $3  }
0x3a: {  	_ = 	snop  }
0x3b: {  	_ = 	snop  }
0x3c: {  	p2 =	seq.s32 s10, $0x1;
	s10 =	sld [smem:$0x3FB7]  }
0x3d: {  	_ =	shalt  }
0x3e: {  	_ =	shalt  }
0x3f: {  	_ =	shalt  }
0x40: {  	_ =	shalt  }
0x41: {  	_ =	shalt  }
0x42: {  	_ =	shalt  }
0x43: {  	_ =	shalt  }
0x44: {  	_ =	shalt  }
0x45: {  	_ =	shalt  }
0x46: {  	_ =	shalt  }
0x47: {  	_ =	shalt  }
0x48: {  	_ =	shalt  }
0x49: {  	_ =	shalt  }
0x4a: {  	_ =	shalt  }
0x4b: {  	_ =	shalt  }
0x4c: {  	_ =	shalt  }
0x4d: {  	_ =	shalt  }
0x4e: {  	_ =	shalt  }
0x4f: {  	_ =	shalt  }
0x50: {  	_ =	shalt  }
0x51: {  	_ =	shalt  }
0x52: {  	_ =	shalt  }
0x53: {  	_ =	shalt  }
0x54: {  	_ =	shalt  }
0x55: {  	_ =	shalt  }
0x56: {  	_ =	shalt  }
0x57: {  	_ =	shalt  }
0x58: {  	_ =	shalt  }
0x59: {  	_ =	shalt  }
0x5a: {  	_ =	shalt  }
0x5b: {  	_ =	shalt  }
0x5c: {  	_ =	shalt  }
0x5d: {  	_ =	shalt  }
0x5e: {  	_ =	shalt  }
0x5f: {  	_ =	shalt  }
0x60: {  	_ =	shalt  }
0x61: {  	_ =	shalt  }
0x62: {  	_ =	shalt  }
0x63: {  	_ =	shalt  }
0x64: {  	_ =	shalt  }
0x65: {  	_ =	shalt  }
0x66: {  	_ =	shalt  }
0x67: {  	_ =	shalt  }
0x68: {  	_ =	shalt  }
0x69: {  	_ =	shalt  }
0x6a: {  	_ =	shalt  }
0x6b: {  	_ =	shalt  }
0x6c: {  	_ =	shalt  }
0x6d: {  	_ =	shalt  }
0x6e: {  	_ =	shalt  }
0x6f: {  	_ =	shalt  }
0x70: {  	_ =	shalt  }
0x71: {  	_ =	shalt  }
0x72: {  	_ =	shalt  }
0x73: {  	_ =	shalt  }
0x74: {  	_ =	shalt  }
0x75: {  	_ =	shalt  }
0x76: {  	_ =	shalt  }
0x77: {  	_ =	shalt  }
0x78: {  	_ =	shalt  }
0x79: {  	_ =	shalt  }
0x7a: {  	_ =	shalt  }
0x7b: {  	_ =	shalt  }
0x7c: {  	_ =	shalt  }
0x7d: {  	_ =	shalt  }
0x7e: {  	_ =	shalt  }
0x7f: {  	_ =	shalt  }
0x80: {  	_ =	shalt  }
0x81: {  	_ =	shalt  }
0x82: {  	_ =	shalt  }
0x83: {  	_ =	shalt  }
0x84: {  	_ =	shalt  }
0x85: {  	_ =	shalt  }
0x86: {  	_ =	shalt  }
0x87: {  	_ =	shalt  }
.Lfunc_end0:
.L_simem_size_0:
called_computation.1_lowered:
.L_overlay_start_0:
0x88: {  	s2 =	sld [smem:$0x3FD9]  }
0x89: {  	s3 =	sld [smem:$0x3FFE];
	_ =	sdelay $0x1  }
0x8a: {  	s1 =	srdreg.scid  }
0x8b: {  	s0 =	sand.u32 $0x1, s1  }
0x8c: {  	s17 =	sshll.u32 s0, $0xA;
	s2 =	sadd.s32 s3, s2  }
0x8d: {  	s2 =	sadd.s32 s2, s17  }
0x8e: {  	[smem:$0x3FC3] =	sst s2  }
0x8f: {  	_ = 	snop  }
0x90: {  	s2 =	sld [smem:$0x3FD0];
	(tm) =	ssettm $0x1  }
0x91: {  	s18 =	sld [smem:$0x3FFB];
	_ =	sdelay $0x3  }
0x92: {  	_ =	strace s18  }
0x93: {  	s3 =	sld [smem:$0x3FFC];
	_ =	sdelay $0x3  }
0x94: {  	_ =	strace s3  }
0x95: {  	s3 =	sld [smem:$0x3FFD];
	_ =	sdelay $0x3  }
0x96: {  	_ =	strace s3  }
0x97: {  	_ =	strace $0x8FFFFFFF  }
0x98: {  	s19 =	sld [smem:$0x3FDB];
	_ =	sdelay $0x1  }
0x99: {  	s4 =	simm.s32 $_scs_section_size  }
0x9a: {  	s5 =	simm.s32 $_size__tile_overlayer_lowered;
	s6 =	simm.s32 $_tile_overlayer_lowered  }
0x9b: {  	s22 =	simm.s32 $0x1BFF;
	s21 =	sshll.u32 s6, $0x1;
	s3 =	sadd.s32 s4, s19  }
0x9c: {  	s7 =	simm.s32 $0x0;
	s20 =	sshll.u32 s5, $0x1;
	s5 =	sadd.s32 s21, s3  }
0x9d: {  	[timem:s7], [sflag:s22] =	dma.local [hbm:s5], s20  }
0x9e: {  	_ =	swait.ge [sflag:s22], s20  }
0x9f: {  	s4 =	ssub.s32 $0x0, s20;
	[sflag:s22] =	ssyncset.done $0x0  }
0xa0: {  	[sflag:s22] =	ssyncadd.s32 s4;
	_ =	sdelay $0x1  }
0xa1: {  	s23 =	simm.s32 $0x1B8B  }
0xa2: {  	_ =	swait.ge [sflag:s23], $0x1  }
0xa3: {  	[sflag:s23] =	ssyncset.done $0x0  }
0xa4: {  	s25 =	simm.s32 $0x1B8E;
	s24 =	sld [smem:$0x3FFE];
	[sflag:s23] =	ssyncadd.s32 $0xFFFFFFFF  }
0xa5: {  	s26 =	simm.s32 $execute0_lowered;
	[smem:$0x3FD2] =	sst s25  }
0xa6: {  	s5 =	sshll.u32 s26, $0x1;
	_ =	strace $0x80000049;
	[dreg:$0x1] =	wrdreg $0xFFFFFFFF  }
0xa7: {  	s28 =	simm.s32 $_size_execute0_lowered;
	s3 =	sadd.s32 s3, s5;
	[dreg:$0x0] =	wrdreg $0x0  }
0xa8: {  	s5 =	sshll.u32 s28, $0x1;
	[dreg:$0x2] =	wrdreg s3  }
0xa9: {  	[dreg:$0x3] =	wrdreg s5  }
0xaa: {  	[dreg:$0x4] =	wrdreg $0xC0  }
0xab: {  	_ =	task [dreg:s7], $0x5FFFF  }
0xac: {  	[dreg:$0x1] =	wrdreg $0xFFFFFFFF  }
0xad: {  	[dreg:$0x0] =	wrdreg $0x60  }
0xae: {  	[dreg:$0x2] =	wrdreg s24  }
0xaf: {  	[dreg:$0x3] =	wrdreg s2  }
0xb0: {  	[dreg:$0x4] =	wrdreg $0x9  }
0xb1: {  	_ =	task.clear_ibuf [dreg:s7], $0x5FFFF;
	_ =	strace $0x90000049  }
0xb2: {  	s29 =	simm.s32 $0x9;
	_ =	strace $0x8000004B  }
0xb3: {  	_ =	swait.ge [sflag:s29], $0x1  }
0xb4: {  	[sflag:s29] =	ssyncadd.s32 $0xFFFFFFFF  }
0xb5: {  	_ =	strace $0x9000004B  }
0xb6: {  	_ =	sfence  }
0xb7: {  	s30 =	sld [smem:$0x0];
	_ =	sdelay $0x2  }
0xb8: {  	s31 =	sshll.u32 s1, $0xD;
	s1 =	sshrl.u32 s1, $0x2  }
0xb9: {  	s3 =	sand.u32 $0x4000, s31;
	s1 =	sadd.s32 s1, s30  }
0xba: {  	s0 =	sor.u32 s3, s0;
	s1 =	sshll.u32 s1, $0x11  }
0xbb: {  	s0 =	sor.u32 s1, s0  }
0xbc: {  	s0 =	sadd.s32 $0x8F2B, s0  }
0xbd: {  	[sflag:s0] =	ssyncadd.remote.s32 $0x1  }
0xbe: {  	_ =	sfence.sel $0xFFFF  }
0xbf: {  	[dreg:$0x0] =	wrdreg $0xFFFFFFFF;
	(pc) =	sbr.abs _section_cstart, $3  }
0xc0: {  	[dreg:$0x1] =	wrdreg $0xFFFFFFFF  }
0xc1: {  	_ =	task.clear_ibuf [dreg:s7], $0x2FFFF;
	_ =	strace $0x9FFFFFFF  }
0xc2: {  	(tm) =	ssettm $0x7FFFFFFF  }
0xc3: {  	_ =	shalt  }
tec
execute0_lowered:
.L_overlay_start_1:
0x0: {  	(tag) =	ssettag $0x1  }
0x1: {  	s0 =	rddreg [dreg:$0x0]  }
0x2: {  	s1 =	rddreg [dreg:$0x1]  }
0x3: {  	s2 =	simm.s32 $0x0;
	s3 =	srdreg.scid;
	s5 =	stileid.u32  }
0x4: {  	s29 =	simm.s32 $0x100;
	s30 =	simm.s32 $0x1100;
	s31 =	simm.s32 $0x1900  }
0x5: {  	s11 =	simm.s32 $0x3900;
	s12 =	simm.s32 $0x4100;
	s13 =	simm.s32 $0x4900  }
0x6: {  	s28 =	simm.s32 $0x3;
	[smem:$0x7FF] =	sst s2;
	s4 =	sand.u32 $0x1, s3  }
0x7: {  	s3 =	sadd.s32 $0x800, s0;
	s5 =	sshll.u32 s5, $0x8;
	s6 =	sshll.u32 s4, $0x7  }
0x8: {  	s7 =	sadd.s32 $0x600, s0;
	s4 =	ssub.s32 $0x2, s4;
	s5 =	sor.u32 s6, s5  }
0x9: {  	_ =	strace $0x8000004A;
	s14 =	sshrl.u32 s4, $0x1;
	s8 =	sshrl.u32 s5, $0x3  }
0xa: {  	s9 =	sor.u32 $0x20, s5;
	s10 =	ssub.s32 s4, s14;
	s18 =	sshll.u32 s5, $0x7  }
0xb: {  	s19 =	sor.u32 $0x40, s5;
	s4 =	sadd.s32 $0x900, s0;
	s5 =	sor.u32 $0x60, s5  }
0xc: {  	s14 =	simm.s32 $0x5100;
	s15 =	sadd.s32 s7, s8;
	s16 =	sshrl.u32 s9, $0x3  }
0xd: {  	s6 =	sadd.s32 s1, s18;
	s20 =	sshrl.u32 s19, $0x3;
	s9 =	sshll.u32 s9, $0x7  }
0xe: {  	s22 =	sshrl.u32 s5, $0x3;
	s24 =	sshll.u32 s19, $0x7;
	s26 =	sshll.u32 s5, $0x7  }
0xf: {  	s5 =	sadd.s32 $0xA00, s0;
	s18 =	simm.s32 $0x7100;
	s19 =	simm.s32 $0x7900  }
0x10: {  	s8 =	simm.s32 $0x8100;
	[dreg:$0x3] =	wrdreg s15;
	s17 =	sadd.s32 s7, s16  }
0x11: {  	[dreg:$0x5] =	wrdreg s6;
	s6 =	sadd.s32 s7, s20;
	s21 =	sadd.s32 s1, s9  }
0x12: {  	s23 =	sadd.s32 s7, s22;
	s25 =	sadd.s32 s1, s24;
	[dreg:$0x4] =	wrdreg s17  }
0x13: {  	s1 =	sadd.s32 s1, s26;
	s7 =	smax.u32 s10, $0x1;
	[dreg:$0x6] =	wrdreg s6  }
0x14: {  	s22 =	simm.s32 $0x5;
	s26 =	simm.s32 $0x1;
	[dreg:$0x7] =	wrdreg s21  }
0x15: {  	s10 =	simm.s32 $0x3100;
	s15 =	simm.s32 $0x5900;
	[dreg:$0x8] =	wrdreg s23  }
0x16: {  	v2 =	vlaneseq.u32;
	s16 =	simm.s32 $0x6100;
	s20 =	simm.s32 $0x80;
	[dreg:$0x9] =	wrdreg s25  }
0x17: {  	vm0 =	vmmov $0xffff;
	v1 =	vshrl.u32 v2, $0x3;
	s6 =	sadd.s32 $0xB00, s0;
	[dreg:$0xa] =	wrdreg s1;
	s21 =	simm.s32 $0x4  }
0x18: {  	v0 =	vand.u32 $0x7, v2;
	v2 =	vor.u32 $0x8, v2;
	v1 =	vmul.u32 $0x8, v1;
	s23 =	simm.s32 $0x6;
	s25 =	simm.s32 $0x900;
	s17 =	simm.s32 $0x6900  }
.LBB2_1:
0x19: {  	s24 =	rddreg [dreg:$0x3]  }
0x1a: {  	[tilespmem:s2], [sflag:$0x1] =	stream.linear.gather [hbm4b:s24+s2], $0x20, $0x38;
	[tilespmem:$0x10100] =	vst v63  }
0x1b: {  	_ =	swait.ge [sflag:s26], $0x20  }
0x1c: {  	[sflag:s26] =	ssyncset.done $0x0  }
0x1d: {  	[sflag:s26] =	ssyncadd.s32 $0xFFFFFFE0  }
0x1e: {  	v3 =	vld [tilespmem:$0x0];
	_ =	sdelay $0x4  }
0x1f: {  	v4 =	vshll.u32 v3, $0x3  }
0x20: {  	v3 =	vand.u32 $0x7, v3;
	v4 =	vand.u32 $0xFFFFFFC0, v4  }
0x21: {  	v3 =	vor.u32 v3, v4  }
0x22: {  	v4 =	vperm.xlane v3, v0;
	_ =	sdelay $0x1  }
0x23: {  	v4 =	vadd.s32 v1, v4;
	_ =	sdelay $0x4  }
0x24: {  	[tilespmem:s29], [sflag:$0x3] =	stream.indirect_vreg.gather [hbm4b:s3+s2], $0x80, v4, vm0, $0xb8;
	[tilespmem:$0x10100] =	vst v63  }
0x25: {  	v3 =	vperm.xlane v3, v2  }
0x26: {  	[tilespmem:s25], [sflag:$0x3] =	stream.indirect_vreg.gather [hbm4b:s4+s2], $0x80, v4, vm0, $0xb8;
	[tilespmem:$0x10100] =	vst v63  }
0x27: {  	v3 =	vadd.s32 v1, v3  }
0x28: {  	[tilespmem:s30], [sflag:$0x3] =	stream.indirect_vreg.gather [hbm4b:s5+s2], $0x80, v4, vm0, $0xb8;
	[tilespmem:$0x10100] =	vst v63  }
0x29: {  	_ = 	snop  }
0x2a: {  	[tilespmem:s31], [sflag:$0x3] =	stream.indirect_vreg.gather [hbm4b:s6+s2], $0x80, v4, vm0, $0xb8;
	[tilespmem:$0x10100] =	vst v63  }
0x2b: {  	s9 =	simm.s32 $0x2100  }
0x2c: {  	[tilespmem:s9], [sflag:$0x3] =	stream.indirect_vreg.gather [hbm4b:s3+s2], $0x80, v3, vm0, $0xb8;
	[tilespmem:$0x10100] =	vst v63  }
0x2d: {  	s0 =	simm.s32 $0x2900  }
0x2e: {  	[tilespmem:s0], [sflag:$0x3] =	stream.indirect_vreg.gather [hbm4b:s4+s2], $0x80, v3, vm0, $0xb8;
	[tilespmem:$0x10100] =	vst v63  }
0x2f: {  	_ = 	snop  }
0x30: {  	[tilespmem:s10], [sflag:$0x3] =	stream.indirect_vreg.gather [hbm4b:s5+s2], $0x80, v3, vm0, $0xb8;
	[tilespmem:$0x10100] =	vst v63  }
0x31: {  	_ = 	snop  }
0x32: {  	[tilespmem:s11], [sflag:$0x3] =	stream.indirect_vreg.gather [hbm4b:s6+s2], $0x80, v3, vm0, $0xb8;
	[tilespmem:$0x10100] =	vst v63  }
0x33: {  	v3 =	vld [tilespmem:$0x10];
	_ =	sdelay $0x4  }
0x34: {  	v57 =	vshll.u32 v3, $0x3  }
0x35: {  	v3 =	vand.u32 $0x7, v3;
	v4 =	vand.u32 $0xFFFFFFC0, v57  }
0x36: {  	v3 =	vor.u32 v3, v4  }
0x37: {  	v4 =	vperm.xlane v3, v0;
	_ =	sdelay $0x1  }
0x38: {  	v4 =	vadd.s32 v1, v4;
	_ =	sdelay $0x4  }
0x39: {  	[tilespmem:s12], [sflag:$0x3] =	stream.indirect_vreg.gather [hbm4b:s3+s2], $0x80, v4, vm0, $0xb8;
	[tilespmem:$0x10100] =	vst v63  }
0x3a: {  	v3 =	vperm.xlane v3, v2  }
0x3b: {  	[tilespmem:s13], [sflag:$0x3] =	stream.indirect_vreg.gather [hbm4b:s4+s2], $0x80, v4, vm0, $0xb8;
	[tilespmem:$0x10100] =	vst v63  }
0x3c: {  	v3 =	vadd.s32 v1, v3  }
0x3d: {  	[tilespmem:s14], [sflag:$0x3] =	stream.indirect_vreg.gather [hbm4b:s5+s2], $0x80, v4, vm0, $0xb8;
	[tilespmem:$0x10100] =	vst v63  }
0x3e: {  	_ = 	snop  }
0x3f: {  	[tilespmem:s15], [sflag:$0x3] =	stream.indirect_vreg.gather [hbm4b:s6+s2], $0x80, v4, vm0, $0xb8;
	[tilespmem:$0x10100] =	vst v63  }
0x40: {  	_ = 	snop  }
0x41: {  	[tilespmem:s16], [sflag:$0x3] =	stream.indirect_vreg.gather [hbm4b:s3+s2], $0x80, v3, vm0, $0xb8;
	[tilespmem:$0x10100] =	vst v63  }
0x42: {  	_ = 	snop  }
0x43: {  	[tilespmem:s17], [sflag:$0x3] =	stream.indirect_vreg.gather [hbm4b:s4+s2], $0x80, v3, vm0, $0xb8;
	[tilespmem:$0x10100] =	vst v63  }
0x44: {  	_ = 	snop  }
0x45: {  	[tilespmem:s18], [sflag:$0x3] =	stream.indirect_vreg.gather [hbm4b:s5+s2], $0x80, v3, vm0, $0xb8;
	[tilespmem:$0x10100] =	vst v63  }
0x46: {  	_ = 	snop  }
0x47: {  	[tilespmem:s19], [sflag:$0x3] =	stream.indirect_vreg.gather [hbm4b:s6+s2], $0x80, v3, vm0, $0xb8;
	[tilespmem:$0x10100] =	vst v63  }
0x48: {  	s1 =	rddreg [dreg:$0x4]  }
0x49: {  	[tilespmem:s20], [sflag:$0x2] =	stream.linear.gather [hbm4b:s1+s2], $0x20, $0x38;
	[tilespmem:$0x10100] =	vst v63  }
0x4a: {  	_ =	swait.ge [sflag:s28], $0x8000  }
0x4b: {  	[sflag:s28] =	ssyncset.done $0x0  }
0x4c: {  	s0 =	rddreg [dreg:$0x5];
	[sflag:s28] =	ssyncadd.s32 $0xFFFF8000  }
0x4d: {  	[hbm4b:s0+s2] =	stream.linear.scatter [tilespmem:s29], [sflag:$0x5], $0x8000, $0x38;
	[tilespmem:$0x10100] =	vst v63  }
0x4e: {  	s0 =	simm.s32 $0x2  }
0x4f: {  	_ =	swait.ge [sflag:s0], $0x20  }
0x50: {  	[sflag:s0] =	ssyncset.done $0x0  }
0x51: {  	[sflag:s0] =	ssyncadd.s32 $0xFFFFFFE0  }
0x52: {  	v3 =	vld [tilespmem:$0x80];
	_ =	sdelay $0x4  }
0x53: {  	v58 =	vshll.u32 v3, $0x3  }
0x54: {  	v3 =	vand.u32 $0x7, v3;
	v4 =	vand.u32 $0xFFFFFFC0, v58  }
0x55: {  	v3 =	vor.u32 v3, v4  }
0x56: {  	v4 =	vperm.xlane v3, v0;
	_ =	sdelay $0x1  }
0x57: {  	v4 =	vadd.s32 v1, v4;
	_ =	sdelay $0x4  }
0x58: {  	[tilespmem:s8], [sflag:$0x4] =	stream.indirect_vreg.gather [hbm4b:s3+s2], $0x80, v4, vm0, $0xb8;
	[tilespmem:$0x10100] =	vst v63  }
0x59: {  	s1 =	simm.s32 $0x8900;
	v3 =	vperm.xlane v3, v2  }
0x5a: {  	[tilespmem:s1], [sflag:$0x4] =	stream.indirect_vreg.gather [hbm4b:s4+s2], $0x80, v4, vm0, $0xb8;
	[tilespmem:$0x10100] =	vst v63  }
0x5b: {  	v3 =	vadd.s32 v1, v3;
	s1 =	simm.s32 $0x9100  }
0x5c: {  	[tilespmem:s1], [sflag:$0x4] =	stream.indirect_vreg.gather [hbm4b:s5+s2], $0x80, v4, vm0, $0xb8;
	[tilespmem:$0x10100] =	vst v63  }
0x5d: {  	s1 =	simm.s32 $0x9900  }
0x5e: {  	[tilespmem:s1], [sflag:$0x4] =	stream.indirect_vreg.gather [hbm4b:s6+s2], $0x80, v4, vm0, $0xb8;
	[tilespmem:$0x10100] =	vst v63  }
0x5f: {  	s1 =	simm.s32 $0xA100  }
0x60: {  	[tilespmem:s1], [sflag:$0x4] =	stream.indirect_vreg.gather [hbm4b:s3+s2], $0x80, v3, vm0, $0xb8;
	[tilespmem:$0x10100] =	vst v63  }
0x61: {  	s1 =	simm.s32 $0xA900  }
0x62: {  	[tilespmem:s1], [sflag:$0x4] =	stream.indirect_vreg.gather [hbm4b:s4+s2], $0x80, v3, vm0, $0xb8;
	[tilespmem:$0x10100] =	vst v63  }
0x63: {  	s1 =	simm.s32 $0xB100  }
0x64: {  	[tilespmem:s1], [sflag:$0x4] =	stream.indirect_vreg.gather [hbm4b:s5+s2], $0x80, v3, vm0, $0xb8;
	[tilespmem:$0x10100] =	vst v63  }
0x65: {  	s1 =	simm.s32 $0xB900  }
0x66: {  	[tilespmem:s1], [sflag:$0x4] =	stream.indirect_vreg.gather [hbm4b:s6+s2], $0x80, v3, vm0, $0xb8;
	[tilespmem:$0x10100] =	vst v63  }
0x67: {  	v3 =	vld [tilespmem:$0x90];
	_ =	sdelay $0x4  }
0x68: {  	v59 =	vshll.u32 v3, $0x3  }
0x69: {  	v3 =	vand.u32 $0x7, v3;
	v4 =	vand.u32 $0xFFFFFFC0, v59  }
0x6a: {  	v3 =	vor.u32 v3, v4  }
0x6b: {  	v4 =	vperm.xlane v3, v0;
	_ =	sdelay $0x1  }
0x6c: {  	v4 =	vadd.s32 v1, v4;
	_ =	sdelay $0x3  }
0x6d: {  	s1 =	simm.s32 $0xC100  }
0x6e: {  	[tilespmem:s1], [sflag:$0x4] =	stream.indirect_vreg.gather [hbm4b:s3+s2], $0x80, v4, vm0, $0xb8;
	[tilespmem:$0x10100] =	vst v63  }
0x6f: {  	v3 =	vperm.xlane v3, v2;
	s1 =	simm.s32 $0xC900  }
0x70: {  	[tilespmem:s1], [sflag:$0x4] =	stream.indirect_vreg.gather [hbm4b:s4+s2], $0x80, v4, vm0, $0xb8;
	[tilespmem:$0x10100] =	vst v63  }
0x71: {  	v3 =	vadd.s32 v1, v3;
	s1 =	simm.s32 $0xD100  }
0x72: {  	[tilespmem:s1], [sflag:$0x4] =	stream.indirect_vreg.gather [hbm4b:s5+s2], $0x80, v4, vm0, $0xb8;
	[tilespmem:$0x10100] =	vst v63  }
0x73: {  	s1 =	simm.s32 $0xD900  }
0x74: {  	[tilespmem:s1], [sflag:$0x4] =	stream.indirect_vreg.gather [hbm4b:s6+s2], $0x80, v4, vm0, $0xb8;
	[tilespmem:$0x10100] =	vst v63  }
0x75: {  	s1 =	simm.s32 $0xE100  }
0x76: {  	[tilespmem:s1], [sflag:$0x4] =	stream.indirect_vreg.gather [hbm4b:s3+s2], $0x80, v3, vm0, $0xb8;
	[tilespmem:$0x10100] =	vst v63  }
0x77: {  	s1 =	simm.s32 $0xE900  }
0x78: {  	[tilespmem:s1], [sflag:$0x4] =	stream.indirect_vreg.gather [hbm4b:s4+s2], $0x80, v3, vm0, $0xb8;
	[tilespmem:$0x10100] =	vst v63  }
0x79: {  	s1 =	simm.s32 $0xF100  }
0x7a: {  	[tilespmem:s1], [sflag:$0x4] =	stream.indirect_vreg.gather [hbm4b:s5+s2], $0x80, v3, vm0, $0xb8;
	[tilespmem:$0x10100] =	vst v63  }
0x7b: {  	s1 =	simm.s32 $0xF900  }
0x7c: {  	[tilespmem:s1], [sflag:$0x4] =	stream.indirect_vreg.gather [hbm4b:s6+s2], $0x80, v3, vm0, $0xb8;
	[tilespmem:$0x10100] =	vst v63  }
0x7d: {  	s24 =	rddreg [dreg:$0x6]  }
0x7e: {  	[tilespmem:s2], [sflag:$0x1] =	stream.linear.gather [hbm4b:s24+s2], $0x20, $0x38;
	[tilespmem:$0x10100] =	vst v63  }
0x7f: {  	_ =	swait.ge [sflag:s21], $0x8000  }
0x80: {  	[sflag:s21] =	ssyncset.done $0x0  }
0x81: {  	s24 =	rddreg [dreg:$0x7];
	[sflag:s21] =	ssyncadd.s32 $0xFFFF8000  }
0x82: {  	[hbm4b:s24+s2] =	stream.linear.scatter [tilespmem:s8], [sflag:$0x6], $0x8000, $0x38;
	[tilespmem:$0x10100] =	vst v63  }
0x83: {  	_ =	swait.ge [sflag:s26], $0x20  }
0x84: {  	[sflag:s26] =	ssyncset.done $0x0  }
0x85: {  	[sflag:s26] =	ssyncadd.s32 $0xFFFFFFE0  }
0x86: {  	_ =	swait.ge [sflag:s22], $0x8000  }
0x87: {  	[sflag:s22] =	ssyncset.done $0x0  }
0x88: {  	[sflag:s22] =	ssyncadd.s32 $0xFFFF8000  }
0x89: {  	v3 =	vld [tilespmem:$0x0];
	_ =	sdelay $0x4  }
0x8a: {  	v60 =	vshll.u32 v3, $0x3  }
0x8b: {  	v3 =	vand.u32 $0x7, v3;
	v4 =	vand.u32 $0xFFFFFFC0, v60  }
0x8c: {  	v3 =	vor.u32 v3, v4  }
0x8d: {  	v4 =	vperm.xlane v3, v0;
	_ =	sdelay $0x1  }
0x8e: {  	v4 =	vadd.s32 v1, v4;
	_ =	sdelay $0x4  }
0x8f: {  	[tilespmem:s29], [sflag:$0x3] =	stream.indirect_vreg.gather [hbm4b:s3+s2], $0x80, v4, vm0, $0xb8;
	[tilespmem:$0x10100] =	vst v63  }
0x90: {  	v3 =	vperm.xlane v3, v2  }
0x91: {  	[tilespmem:s25], [sflag:$0x3] =	stream.indirect_vreg.gather [hbm4b:s4+s2], $0x80, v4, vm0, $0xb8;
	[tilespmem:$0x10100] =	vst v63  }
0x92: {  	v3 =	vadd.s32 v1, v3  }
0x93: {  	[tilespmem:s30], [sflag:$0x3] =	stream.indirect_vreg.gather [hbm4b:s5+s2], $0x80, v4, vm0, $0xb8;
	[tilespmem:$0x10100] =	vst v63  }
0x94: {  	_ = 	snop  }
0x95: {  	[tilespmem:s31], [sflag:$0x3] =	stream.indirect_vreg.gather [hbm4b:s6+s2], $0x80, v4, vm0, $0xb8;
	[tilespmem:$0x10100] =	vst v63  }
0x96: {  	_ = 	snop  }
0x97: {  	[tilespmem:s9], [sflag:$0x3] =	stream.indirect_vreg.gather [hbm4b:s3+s2], $0x80, v3, vm0, $0xb8;
	[tilespmem:$0x10100] =	vst v63  }
0x98: {  	s24 =	simm.s32 $0x2900  }
0x99: {  	[tilespmem:s24], [sflag:$0x3] =	stream.indirect_vreg.gather [hbm4b:s4+s2], $0x80, v3, vm0, $0xb8;
	[tilespmem:$0x10100] =	vst v63  }
0x9a: {  	_ = 	snop  }
0x9b: {  	[tilespmem:s10], [sflag:$0x3] =	stream.indirect_vreg.gather [hbm4b:s5+s2], $0x80, v3, vm0, $0xb8;
	[tilespmem:$0x10100] =	vst v63  }
0x9c: {  	_ = 	snop  }
0x9d: {  	[tilespmem:s11], [sflag:$0x3] =	stream.indirect_vreg.gather [hbm4b:s6+s2], $0x80, v3, vm0, $0xb8;
	[tilespmem:$0x10100] =	vst v63  }
0x9e: {  	v3 =	vld [tilespmem:$0x10];
	_ =	sdelay $0x4  }
0x9f: {  	v61 =	vshll.u32 v3, $0x3  }
0xa0: {  	v3 =	vand.u32 $0x7, v3;
	v4 =	vand.u32 $0xFFFFFFC0, v61  }
0xa1: {  	v3 =	vor.u32 v3, v4  }
0xa2: {  	v4 =	vperm.xlane v3, v0;
	_ =	sdelay $0x1  }
0xa3: {  	v4 =	vadd.s32 v1, v4;
	_ =	sdelay $0x4  }
0xa4: {  	[tilespmem:s12], [sflag:$0x3] =	stream.indirect_vreg.gather [hbm4b:s3+s2], $0x80, v4, vm0, $0xb8;
	[tilespmem:$0x10100] =	vst v63  }
0xa5: {  	v3 =	vperm.xlane v3, v2  }
0xa6: {  	[tilespmem:s13], [sflag:$0x3] =	stream.indirect_vreg.gather [hbm4b:s4+s2], $0x80, v4, vm0, $0xb8;
	[tilespmem:$0x10100] =	vst v63  }
0xa7: {  	v3 =	vadd.s32 v1, v3  }
0xa8: {  	[tilespmem:s14], [sflag:$0x3] =	stream.indirect_vreg.gather [hbm4b:s5+s2], $0x80, v4, vm0, $0xb8;
	[tilespmem:$0x10100] =	vst v63  }
0xa9: {  	_ = 	snop  }
0xaa: {  	[tilespmem:s15], [sflag:$0x3] =	stream.indirect_vreg.gather [hbm4b:s6+s2], $0x80, v4, vm0, $0xb8;
	[tilespmem:$0x10100] =	vst v63  }
0xab: {  	_ = 	snop  }
0xac: {  	[tilespmem:s16], [sflag:$0x3] =	stream.indirect_vreg.gather [hbm4b:s3+s2], $0x80, v3, vm0, $0xb8;
	[tilespmem:$0x10100] =	vst v63  }
0xad: {  	_ = 	snop  }
0xae: {  	[tilespmem:s17], [sflag:$0x3] =	stream.indirect_vreg.gather [hbm4b:s4+s2], $0x80, v3, vm0, $0xb8;
	[tilespmem:$0x10100] =	vst v63  }
0xaf: {  	_ = 	snop  }
0xb0: {  	[tilespmem:s18], [sflag:$0x3] =	stream.indirect_vreg.gather [hbm4b:s5+s2], $0x80, v3, vm0, $0xb8;
	[tilespmem:$0x10100] =	vst v63  }
0xb1: {  	_ = 	snop  }
0xb2: {  	[tilespmem:s19], [sflag:$0x3] =	stream.indirect_vreg.gather [hbm4b:s6+s2], $0x80, v3, vm0, $0xb8;
	[tilespmem:$0x10100] =	vst v63  }
0xb3: {  	s9 =	rddreg [dreg:$0x8]  }
0xb4: {  	[tilespmem:s20], [sflag:$0x2] =	stream.linear.gather [hbm4b:s9+s2], $0x20, $0x38;
	[tilespmem:$0x10100] =	vst v63  }
0xb5: {  	_ =	swait.ge [sflag:s28], $0x8000  }
0xb6: {  	[sflag:s28] =	ssyncset.done $0x0  }
0xb7: {  	s9 =	rddreg [dreg:$0x9];
	[sflag:s28] =	ssyncadd.s32 $0xFFFF8000  }
0xb8: {  	[hbm4b:s9+s2] =	stream.linear.scatter [tilespmem:s29], [sflag:$0x5], $0x8000, $0x38;
	[tilespmem:$0x10100] =	vst v63  }
0xb9: {  	_ =	swait.ge [sflag:s0], $0x20  }
0xba: {  	[sflag:s0] =	ssyncset.done $0x0  }
0xbb: {  	[sflag:s0] =	ssyncadd.s32 $0xFFFFFFE0  }
0xbc: {  	_ =	swait.ge [sflag:s23], $0x8000  }
0xbd: {  	[sflag:s23] =	ssyncset.done $0x0  }
0xbe: {  	[sflag:s23] =	ssyncadd.s32 $0xFFFF8000  }
0xbf: {  	v3 =	vld [tilespmem:$0x80];
	_ =	sdelay $0x4  }
0xc0: {  	v62 =	vshll.u32 v3, $0x3  }
0xc1: {  	v3 =	vand.u32 $0x7, v3;
	v4 =	vand.u32 $0xFFFFFFC0, v62  }
0xc2: {  	v3 =	vor.u32 v3, v4  }
0xc3: {  	v4 =	vperm.xlane v3, v0;
	_ =	sdelay $0x1  }
0xc4: {  	v4 =	vadd.s32 v1, v4;
	_ =	sdelay $0x4  }
0xc5: {  	[tilespmem:s8], [sflag:$0x4] =	stream.indirect_vreg.gather [hbm4b:s3+s2], $0x80, v4, vm0, $0xb8;
	[tilespmem:$0x10100] =	vst v63  }
0xc6: {  	s9 =	simm.s32 $0x8900;
	v3 =	vperm.xlane v3, v2  }
0xc7: {  	[tilespmem:s9], [sflag:$0x4] =	stream.indirect_vreg.gather [hbm4b:s4+s2], $0x80, v4, vm0, $0xb8;
	[tilespmem:$0x10100] =	vst v63  }
0xc8: {  	s24 =	simm.s32 $0x9100;
	v3 =	vadd.s32 v1, v3  }
0xc9: {  	[tilespmem:s24], [sflag:$0x4] =	stream.indirect_vreg.gather [hbm4b:s5+s2], $0x80, v4, vm0, $0xb8;
	[tilespmem:$0x10100] =	vst v63  }
0xca: {  	s9 =	simm.s32 $0x9900  }
0xcb: {  	[tilespmem:s9], [sflag:$0x4] =	stream.indirect_vreg.gather [hbm4b:s6+s2], $0x80, v4, vm0, $0xb8;
	[tilespmem:$0x10100] =	vst v63  }
0xcc: {  	s24 =	simm.s32 $0xA100  }
0xcd: {  	[tilespmem:s24], [sflag:$0x4] =	stream.indirect_vreg.gather [hbm4b:s3+s2], $0x80, v3, vm0, $0xb8;
	[tilespmem:$0x10100] =	vst v63  }
0xce: {  	s9 =	simm.s32 $0xA900  }
0xcf: {  	[tilespmem:s9], [sflag:$0x4] =	stream.indirect_vreg.gather [hbm4b:s4+s2], $0x80, v3, vm0, $0xb8;
	[tilespmem:$0x10100] =	vst v63  }
0xd0: {  	s24 =	simm.s32 $0xB100  }
0xd1: {  	[tilespmem:s24], [sflag:$0x4] =	stream.indirect_vreg.gather [hbm4b:s5+s2], $0x80, v3, vm0, $0xb8;
	[tilespmem:$0x10100] =	vst v63  }
0xd2: {  	s9 =	simm.s32 $0xB900  }
0xd3: {  	[tilespmem:s9], [sflag:$0x4] =	stream.indirect_vreg.gather [hbm4b:s6+s2], $0x80, v3, vm0, $0xb8;
	[tilespmem:$0x10100] =	vst v63  }
0xd4: {  	v3 =	vld [tilespmem:$0x90];
	_ =	sdelay $0x4  }
0xd5: {  	v63 =	vshll.u32 v3, $0x3  }
0xd6: {  	v3 =	vand.u32 $0x7, v3;
	v4 =	vand.u32 $0xFFFFFFC0, v63  }
0xd7: {  	v3 =	vor.u32 v3, v4  }
0xd8: {  	v4 =	vperm.xlane v3, v0;
	_ =	sdelay $0x1  }
0xd9: {  	v4 =	vadd.s32 v1, v4;
	_ =	sdelay $0x3  }
0xda: {  	s24 =	simm.s32 $0xC100  }
0xdb: {  	[tilespmem:s24], [sflag:$0x4] =	stream.indirect_vreg.gather [hbm4b:s3+s2], $0x80, v4, vm0, $0xb8;
	[tilespmem:$0x10100] =	vst v63  }
0xdc: {  	s9 =	simm.s32 $0xC900;
	v3 =	vperm.xlane v3, v2  }
0xdd: {  	[tilespmem:s9], [sflag:$0x4] =	stream.indirect_vreg.gather [hbm4b:s4+s2], $0x80, v4, vm0, $0xb8;
	[tilespmem:$0x10100] =	vst v63  }
0xde: {  	v3 =	vadd.s32 v1, v3;
	s24 =	simm.s32 $0xD100  }
0xdf: {  	[tilespmem:s24], [sflag:$0x4] =	stream.indirect_vreg.gather [hbm4b:s5+s2], $0x80, v4, vm0, $0xb8;
	[tilespmem:$0x10100] =	vst v63  }
0xe0: {  	s9 =	simm.s32 $0xD900  }
0xe1: {  	[tilespmem:s9], [sflag:$0x4] =	stream.indirect_vreg.gather [hbm4b:s6+s2], $0x80, v4, vm0, $0xb8;
	[tilespmem:$0x10100] =	vst v63  }
0xe2: {  	s24 =	simm.s32 $0xE100  }
0xe3: {  	[tilespmem:s24], [sflag:$0x4] =	stream.indirect_vreg.gather [hbm4b:s3+s2], $0x80, v3, vm0, $0xb8;
	[tilespmem:$0x10100] =	vst v63  }
0xe4: {  	s9 =	simm.s32 $0xE900  }
0xe5: {  	[tilespmem:s9], [sflag:$0x4] =	stream.indirect_vreg.gather [hbm4b:s4+s2], $0x80, v3, vm0, $0xb8;
	[tilespmem:$0x10100] =	vst v63  }
0xe6: {  	s24 =	simm.s32 $0xF100  }
0xe7: {  	[tilespmem:s24], [sflag:$0x4] =	stream.indirect_vreg.gather [hbm4b:s5+s2], $0x80, v3, vm0, $0xb8;
	[tilespmem:$0x10100] =	vst v63  }
0xe8: {  	s1 =	simm.s32 $0xF900  }
0xe9: {  	[tilespmem:s1], [sflag:$0x4] =	stream.indirect_vreg.gather [hbm4b:s6+s2], $0x80, v3, vm0, $0xb8;
	[tilespmem:$0x10100] =	vst v63  }
0xea: {  	_ =	swait.ge [sflag:s21], $0x8000  }
0xeb: {  	[sflag:s21] =	ssyncset.done $0x0  }
0xec: {  	s9 =	rddreg [dreg:$0xa];
	[sflag:s21] =	ssyncadd.s32 $0xFFFF8000  }
0xed: {  	[hbm4b:s9+s2] =	stream.linear.scatter [tilespmem:s8], [sflag:$0x6], $0x8000, $0x38;
	[tilespmem:$0x10100] =	vst v63  }
0xee: {  	p0 =	sne.s32 s7, $0x1;
	_ =	swait.ge [sflag:s22], $0x8000  }
.Ltmp0:
0xef: {  	[sflag:s22] =	ssyncset.done $0x0;
	(pc) =	sbr.rel @p0 .LBB2_1-.Ltmp0, $4  }
0xf0: {  	[sflag:s22] =	ssyncadd.s32 $0xFFFF8000  }
0xf1: {  	_ =	swait.ge [sflag:s23], $0x8000  }
0xf2: {  	[sflag:s23] =	ssyncset.done $0x0  }
0xf3: {  	s7 =	sadd.s32 $0xFFFFFFFF, s7;
	[sflag:s23] =	ssyncadd.s32 $0xFFFF8000  }
0xf4: {  	_ =	sfence.sel $0x180000  }
0xf5: {  	[bflag:$0x0] =	sbarrier.arrive $0xFFFF  }
0xf6: {  	_ =	strace $0x9000004A  }
0xf7: {  	s0 =	stileid.u32;
	[bflag:$0x2] =	sbarrier.arrive $0xFFFF  }
0xf8: {  	p0 =	sne.s32 s0, $0x0;
	s0 =	rddreg [dreg:$0x2]  }
0xf9: {  	s0 =	sadd.s32 @!p0 $0x100000, s0  }
0xfa: {  	[sflag:s0] =	ssyncadd.tile.s32 @!p0 $0x1;
	_ =	shalt  }
.Lfunc_end2:
_tile_overlayer_lowered:
.L_overlay_start_2:
0xfb: {  	(tag) =	ssettag $0x2  }
0xfc: {  	s0 =	rddreg [dreg:$0x0];
	s2 =	stileid.u32  }
0xfd: {  	s1 =	rddreg [dreg:$0x1];
	p0 =	sne.s32 s2, $0x0  }
0xfe: {  	s3 =	rddreg [dreg:$0x2];
	[bflag:$0x3] =	sbarrier.arrive $0xFFFF;
	s2 =	simm.s32 @!p0 $0x1C07  }
0xff: {  	[timem:s3], [sflag:s2] =	dma.local @!p0 [hbm:s0], s1  }
0x100: {  	s0 =	simm.s32 @!p0 $0x7  }
0x101: {  	_ =	swait.ge @!p0 [sflag:s0], s1  }
0x102: {  	s1 =	ssub.s32 @!p0 $0x0, s1;
	[sflag:s0] =	ssyncset.done @!p0 $0x0  }
0x103: {  	[sflag:s0] =	ssyncadd.s32 @!p0 s1  }
0x104: {  	[bflag:$0x3] =	sbarrier.arrive $0xFFFF  }
0x105: {  	_ =	shalt  }

</sc_bundles>
